<compile_context>
chip_gen: v7x
topology: tpu7x:2x2x1
jax: 0.10.2.dev20260603
libtpu: 0.0.44.dev20260713+nightly
codegen_flags: <defaults>
</compile_context>

<pallas_src>
import functools

import jax
import jax.numpy as jnp
from jax import lax
from jax.experimental import pallas as pl
from jax.experimental.pallas import tpu as pltpu
from jax.experimental.pallas import tpu_sc as plsc

D_FEAT = 128
CHUNK = 128


def _sc_gather_scatter(feat, edges):
    n_nodes = feat.shape[0]
    n_edges = edges.shape[1]
    info = plsc.get_sparse_core_info()
    nc, ns = info.num_cores, info.num_subcores
    nw = nc * ns
    total_chunks = n_edges // CHUNK
    assert total_chunks * CHUNK == n_edges
    steps = (total_chunks + nw - 1) // nw
    n_gbuf = 3
    n_ibuf = 6
    row_blk = 80
    n_row_blks = n_nodes // row_blk
    wr_iters = (n_row_blks + ns - 1) // ns

    mesh = plsc.VectorSubcoreMesh(core_axis_name="c", subcore_axis_name="s")

    @functools.partial(
        pl.kernel,
        mesh=mesh,
        out_type=jax.ShapeDtypeStruct((nc, n_nodes, D_FEAT), jnp.float32),
        scratch_types=[
            [pltpu.VMEM((2, CHUNK), jnp.int32) for _ in range(n_ibuf)],
            [pltpu.VMEM((CHUNK, D_FEAT), jnp.float32) for _ in range(n_gbuf)],
            pltpu.VMEM_SHARED((n_nodes, D_FEAT), jnp.float32),
            [pltpu.SemaphoreType.DMA for _ in range(n_ibuf)],
            [pltpu.SemaphoreType.DMA for _ in range(n_gbuf)],
        ],
    )
    def k(feat_hbm, edges_hbm, out_hbm,
          idx_v, rows, acc_sh, isems, gsems):
        cid = lax.axis_index("c")
        sid = lax.axis_index("s")
        wid = sid * nc + cid

        def chunk_of(j):
            return wid + j * nw

        def idx_copy(j, q):
            off = chunk_of(j) * CHUNK
            pltpu.async_copy(edges_hbm.at[:, pl.ds(off, CHUNK)], idx_v[q],
                             isems[q])

        def idx_wait(j, q):
            off = chunk_of(j) * CHUNK
            pltpu.make_async_copy(edges_hbm.at[:, pl.ds(off, CHUNK)],
                                  idx_v[q], isems[q]).wait()

        for q in range(n_ibuf):
            idx_copy(q, q)

        for b in range(1, n_gbuf):
            idx_wait(b, b)
            pltpu.async_copy(feat_hbm.at[idx_v[b].at[0]], rows[b], gsems[b])

        def zrow(r):
            for c in range(D_FEAT // 16):
                rows[0][r, pl.ds(c * 16, 16)] = jnp.zeros((16,), jnp.float32)

        pl.loop(0, row_blk)(zrow)

        def zero_body(b_i):
            b = sid + b_i * ns

            @pl.when(b < n_row_blks)
            def _():
                r = b * row_blk
                pltpu.async_copy(rows[0].at[pl.ds(0, row_blk)],
                                 acc_sh.at[pl.ds(r, row_blk)], gsems[0])

        def zero_drain(b_i):
            b = sid + b_i * ns

            @pl.when(b < n_row_blks)
            def _():
                r = b * row_blk
                pltpu.make_async_copy(rows[0].at[pl.ds(0, row_blk)],
                                      acc_sh.at[pl.ds(r, row_blk)],
                                      gsems[0]).wait()

        pl.loop(0, wr_iters)(zero_body)
        pl.loop(0, wr_iters)(zero_drain)

        idx_wait(0, 0)
        pltpu.async_copy(feat_hbm.at[idx_v[0].at[0]], rows[0], gsems[0])
        plsc.subcore_barrier()

        def body(i):
            for r in range(n_ibuf):
                j = n_ibuf * i + r
                b = r % n_gbuf

                @pl.when(chunk_of(j) < total_chunks)
                def _():
                    pltpu.make_async_copy(feat_hbm.at[idx_v[r].at[0]],
                                          rows[b], gsems[b]).wait()
                    pltpu.sync_copy(rows[b], acc_sh.at[idx_v[r].at[1]],
                                    add=True)

                @pl.when(chunk_of(j + n_gbuf) < total_chunks)
                def _():
                    q2 = (r + n_gbuf) % n_ibuf
                    idx_wait(j + n_gbuf, q2)
                    pltpu.async_copy(feat_hbm.at[idx_v[q2].at[0]], rows[b],
                                     gsems[b])

                @pl.when(chunk_of(j + n_ibuf) < total_chunks)
                def _():
                    idx_copy(j + n_ibuf, r)

        pl.loop(0, (steps + n_ibuf - 1) // n_ibuf)(body)
        plsc.subcore_barrier()

        def wr_body(b_i):
            b = sid + b_i * ns

            @pl.when(b < n_row_blks)
            def _():
                r = b * row_blk
                pltpu.async_copy(acc_sh.at[pl.ds(r, row_blk)],
                                 out_hbm.at[cid, pl.ds(r, row_blk)],
                                 gsems[0])

        def wr_drain(b_i):
            b = sid + b_i * ns

            @pl.when(b < n_row_blks)
            def _():
                r = b * row_blk
                pltpu.make_async_copy(acc_sh.at[pl.ds(r, row_blk)],
                                      out_hbm.at[cid, pl.ds(r, row_blk)],
                                      gsems[0]).wait()

        pl.loop(0, wr_iters)(wr_body)
        pl.loop(0, wr_iters)(wr_drain)

    return k(feat, edges)


def _combine(partials, w):
    _, n_nodes, d = partials.shape

    def body(w_ref, p_ref, o_ref):
        o_ref[...] = (p_ref[0] + p_ref[1]) * w_ref[0]

    return pl.pallas_call(
        body,
        in_specs=[
            pl.BlockSpec(memory_space=pltpu.SMEM),
            pl.BlockSpec(memory_space=pltpu.VMEM),
        ],
        out_specs=pl.BlockSpec(memory_space=pltpu.VMEM),
        out_shape=jax.ShapeDtypeStruct((n_nodes, d), jnp.float32),
    )(w, partials)


def kernel(node_features, edge_index, learned_weight):
    partials = _sc_gather_scatter(node_features, edge_index)
    return _combine(partials, learned_weight)

# --- scband reference (transcript-rebuilt; emitter-appended) ---
"""Pipeline reference for scband-standard-neural-bp-layer-88802743812479 (READ-ONLY COPY).

The authoritative reference and input builder live on the scoring server;
editing this copy changes nothing except your own understanding.
"""

import jax, jax.numpy as jnp
import numpy as np

N_NODES = 10000
D_FEAT = 128
N_EDGES = 320000

def setup_inputs(seed: int = 0) -> dict:
    key = jax.random.key(seed)
    k1, k2 = jax.random.split(key)
    node_features = jax.random.normal(k1, (N_NODES, D_FEAT), dtype=jnp.float32)
    edge_index = jax.random.randint(k2, (2, N_EDGES), 0, N_NODES, dtype=jnp.int64 if jax.config.jax_enable_x64 else jnp.int32).astype(jnp.int32)
    learned_weight = jnp.array([0.8], dtype=jnp.float32)
    return {"node_features": node_features, "edge_index": edge_index, "learned_weight": learned_weight}

def reference(node_features, edge_index, learned_weight):
    # Faithful translation of Standard_NeuralBP_Layer.forward
    src = edge_index[0]
    dst = edge_index[1]
    # gather source-node features along edges
    x_src = jnp.take(node_features, src, axis=0)
    # scale messages by the learned scalar weight (broadcasts over feature dim)
    messages = x_src * learned_weight
    # scatter-add messages into destination nodes (row-wise, matching torch scatter_add_ on dim 0)
    out = jnp.zeros_like(node_features).at[dst].add(messages)
    return out

if __name__ == "__main__":
    import jax
    _d = setup_inputs()
    print(jax.jit(kernel)(*tuple(_d.values())))

</pallas_src>

<mosaic_0001>
#map = affine_map<(d0, d1) -> (0, 0)>
#map1 = affine_map<(d0, d1) -> (0, 0, 0)>
module attributes {stable_mosaic.version = 14 : i64} {
  func.func @k(%arg0: i32, %arg1: i32, %arg2: memref<10000x128xf32, #tpu.memory_space<hbm>>, %arg3: memref<2x320000xi32, #tpu.memory_space<hbm>>, %arg4: memref<2x10000x128xf32, #tpu.memory_space<hbm>>, %arg5: memref<2x128xi32, #tpu.memory_space<vmem>>, %arg6: memref<2x128xi32, #tpu.memory_space<vmem>>, %arg7: memref<2x128xi32, #tpu.memory_space<vmem>>, %arg8: memref<2x128xi32, #tpu.memory_space<vmem>>, %arg9: memref<2x128xi32, #tpu.memory_space<vmem>>, %arg10: memref<2x128xi32, #tpu.memory_space<vmem>>, %arg11: memref<128x128xf32, #tpu.memory_space<vmem>>, %arg12: memref<128x128xf32, #tpu.memory_space<vmem>>, %arg13: memref<128x128xf32, #tpu.memory_space<vmem>>, %arg14: memref<10000x128xf32, #tpu.memory_space<vmem_shared>>, %arg15: memref<!tpu.dma_semaphore, #tpu.memory_space<semaphore_mem>>, %arg16: memref<!tpu.dma_semaphore, #tpu.memory_space<semaphore_mem>>, %arg17: memref<!tpu.dma_semaphore, #tpu.memory_space<semaphore_mem>>, %arg18: memref<!tpu.dma_semaphore, #tpu.memory_space<semaphore_mem>>, %arg19: memref<!tpu.dma_semaphore, #tpu.memory_space<semaphore_mem>>, %arg20: memref<!tpu.dma_semaphore, #tpu.memory_space<semaphore_mem>>, %arg21: memref<!tpu.dma_semaphore, #tpu.memory_space<semaphore_mem>>, %arg22: memref<!tpu.dma_semaphore, #tpu.memory_space<semaphore_mem>>, %arg23: memref<!tpu.dma_semaphore, #tpu.memory_space<semaphore_mem>>) attributes {dimension_semantics = [#tpu.dimension_semantics<core_parallel>, #tpu.dimension_semantics<subcore_parallel>], iteration_bounds = array<i64: 2, 16>, scalar_prefetch = 0 : i64, scratch_operands = 19 : i64, tpu.core_type = #tpu.core_type<sc_vector_subcore>, window_params = [{transform_indices = #map}, {transform_indices = #map}, {transform_indices = #map1}]} {
    %mul3A = arith.constant 2 : i32
    %mul3A_0 = arith.muli %arg1, %mul3A : i32
    %add3A = arith.addi %mul3A_0, %arg0 : i32
    %add3A_1 = arith.constant 0 : i32
    %add3A_2 = arith.addi %add3A, %add3A_1 : i32
    %mul3A_3 = arith.constant 128 : i32
    %mul3A_4 = arith.muli %add3A_2, %mul3A_3 : i32
    %dma_start3A = arith.constant 0 : i32
    %dma_start3A_5 = tpu.memref_slice %arg3[%dma_start3A, %mul3A_4] : memref<2x320000xi32, #tpu.memory_space<hbm>> -> memref<2x128xi32, #tpu.memory_space<hbm>>
    %dma_start3A_6 = arith.constant 0 : i32
    %dma_start3A_7 = tpu.memref_slice %arg3[%dma_start3A_6, %mul3A_4] : memref<2x320000xi32, #tpu.memory_space<hbm>> -> memref<2x128xi32, #tpu.memory_space<hbm>>
    tpu.enqueue_dma source(%dma_start3A_7 : memref<2x128xi32, #tpu.memory_space<hbm>>) target(%arg5 : memref<2x128xi32, #tpu.memory_space<vmem>>) target_semaphore(%arg15 : memref<!tpu.dma_semaphore, #tpu.memory_space<semaphore_mem>>)
    %add3A_8 = arith.constant 32 : i32
    %add3A_9 = arith.addi %add3A, %add3A_8 : i32
    %mul3A_10 = arith.constant 128 : i32
    %mul3A_11 = arith.muli %add3A_9, %mul3A_10 : i32
    %dma_start3A_12 = arith.constant 0 : i32
    %dma_start3A_13 = tpu.memref_slice %arg3[%dma_start3A_12, %mul3A_11] : memref<2x320000xi32, #tpu.memory_space<hbm>> -> memref<2x128xi32, #tpu.memory_space<hbm>>
    %dma_start3A_14 = arith.constant 0 : i32
    %dma_start3A_15 = tpu.memref_slice %arg3[%dma_start3A_14, %mul3A_11] : memref<2x320000xi32, #tpu.memory_space<hbm>> -> memref<2x128xi32, #tpu.memory_space<hbm>>
    tpu.enqueue_dma source(%dma_start3A_15 : memref<2x128xi32, #tpu.memory_space<hbm>>) target(%arg6 : memref<2x128xi32, #tpu.memory_space<vmem>>) target_semaphore(%arg16 : memref<!tpu.dma_semaphore, #tpu.memory_space<semaphore_mem>>)
    %add3A_16 = arith.constant 64 : i32
    %add3A_17 = arith.addi %add3A, %add3A_16 : i32
    %mul3A_18 = arith.constant 128 : i32
    %mul3A_19 = arith.muli %add3A_17, %mul3A_18 : i32
    %dma_start3A_20 = arith.constant 0 : i32
    %dma_start3A_21 = tpu.memref_slice %arg3[%dma_start3A_20, %mul3A_19] : memref<2x320000xi32, #tpu.memory_space<hbm>> -> memref<2x128xi32, #tpu.memory_space<hbm>>
    %dma_start3A_22 = arith.constant 0 : i32
    %dma_start3A_23 = tpu.memref_slice %arg3[%dma_start3A_22, %mul3A_19] : memref<2x320000xi32, #tpu.memory_space<hbm>> -> memref<2x128xi32, #tpu.memory_space<hbm>>
    tpu.enqueue_dma source(%dma_start3A_23 : memref<2x128xi32, #tpu.memory_space<hbm>>) target(%arg7 : memref<2x128xi32, #tpu.memory_space<vmem>>) target_semaphore(%arg17 : memref<!tpu.dma_semaphore, #tpu.memory_space<semaphore_mem>>)
    %add3A_24 = arith.constant 96 : i32
    %add3A_25 = arith.addi %add3A, %add3A_24 : i32
    %mul3A_26 = arith.constant 128 : i32
    %mul3A_27 = arith.muli %add3A_25, %mul3A_26 : i32
    %dma_start3A_28 = arith.constant 0 : i32
    %dma_start3A_29 = tpu.memref_slice %arg3[%dma_start3A_28, %mul3A_27] : memref<2x320000xi32, #tpu.memory_space<hbm>> -> memref<2x128xi32, #tpu.memory_space<hbm>>
    %dma_start3A_30 = arith.constant 0 : i32
    %dma_start3A_31 = tpu.memref_slice %arg3[%dma_start3A_30, %mul3A_27] : memref<2x320000xi32, #tpu.memory_space<hbm>> -> memref<2x128xi32, #tpu.memory_space<hbm>>
    tpu.enqueue_dma source(%dma_start3A_31 : memref<2x128xi32, #tpu.memory_space<hbm>>) target(%arg8 : memref<2x128xi32, #tpu.memory_space<vmem>>) target_semaphore(%arg18 : memref<!tpu.dma_semaphore, #tpu.memory_space<semaphore_mem>>)
    %add3A_32 = arith.constant 128 : i32
    %add3A_33 = arith.addi %add3A, %add3A_32 : i32
    %mul3A_34 = arith.constant 128 : i32
    %mul3A_35 = arith.muli %add3A_33, %mul3A_34 : i32
    %dma_start3A_36 = arith.constant 0 : i32
    %dma_start3A_37 = tpu.memref_slice %arg3[%dma_start3A_36, %mul3A_35] : memref<2x320000xi32, #tpu.memory_space<hbm>> -> memref<2x128xi32, #tpu.memory_space<hbm>>
    %dma_start3A_38 = arith.constant 0 : i32
    %dma_start3A_39 = tpu.memref_slice %arg3[%dma_start3A_38, %mul3A_35] : memref<2x320000xi32, #tpu.memory_space<hbm>> -> memref<2x128xi32, #tpu.memory_space<hbm>>
    tpu.enqueue_dma source(%dma_start3A_39 : memref<2x128xi32, #tpu.memory_space<hbm>>) target(%arg9 : memref<2x128xi32, #tpu.memory_space<vmem>>) target_semaphore(%arg19 : memref<!tpu.dma_semaphore, #tpu.memory_space<semaphore_mem>>)
    %add3A_40 = arith.constant 160 : i32
    %add3A_41 = arith.addi %add3A, %add3A_40 : i32
    %mul3A_42 = arith.constant 128 : i32
    %mul3A_43 = arith.muli %add3A_41, %mul3A_42 : i32
    %dma_start3A_44 = arith.constant 0 : i32
    %dma_start3A_45 = tpu.memref_slice %arg3[%dma_start3A_44, %mul3A_43] : memref<2x320000xi32, #tpu.memory_space<hbm>> -> memref<2x128xi32, #tpu.memory_space<hbm>>
    %dma_start3A_46 = arith.constant 0 : i32
    %dma_start3A_47 = tpu.memref_slice %arg3[%dma_start3A_46, %mul3A_43] : memref<2x320000xi32, #tpu.memory_space<hbm>> -> memref<2x128xi32, #tpu.memory_space<hbm>>
    tpu.enqueue_dma source(%dma_start3A_47 : memref<2x128xi32, #tpu.memory_space<hbm>>) target(%arg10 : memref<2x128xi32, #tpu.memory_space<vmem>>) target_semaphore(%arg20 : memref<!tpu.dma_semaphore, #tpu.memory_space<semaphore_mem>>)
    %add3A_48 = arith.constant 32 : i32
    %add3A_49 = arith.addi %add3A, %add3A_48 : i32
    %mul3A_50 = arith.constant 128 : i32
    %mul3A_51 = arith.muli %add3A_49, %mul3A_50 : i32
    %dma_wait3A = arith.constant 0 : i32
    %dma_wait3A_52 = tpu.memref_slice %arg3[%dma_wait3A, %mul3A_51] : memref<2x320000xi32, #tpu.memory_space<hbm>> -> memref<2x128xi32, #tpu.memory_space<hbm>>
    %dma_wait3A_53 = arith.constant 0 : i32
    %dma_wait3A_54 = tpu.memref_slice %arg3[%dma_wait3A_53, %mul3A_51] : memref<2x320000xi32, #tpu.memory_space<hbm>> -> memref<2x128xi32, #tpu.memory_space<hbm>>
    tpu.wait_dma2 semaphore(%arg16 : memref<!tpu.dma_semaphore, #tpu.memory_space<semaphore_mem>>) src(%dma_wait3A_54 : memref<2x128xi32, #tpu.memory_space<hbm>>) dst(%arg6 : memref<2x128xi32, #tpu.memory_space<vmem>>)
    %dma_start3A_55 = arith.constant 0 : i32
    %dma_start3A_56 = arith.constant 0 : i32
    %dma_start3A_57 = tpu.memref_slice %arg6[%dma_start3A_55, %dma_start3A_56] : memref<2x128xi32, #tpu.memory_space<vmem>> -> memref<1x128xi32, #tpu.memory_space<vmem>>
    %dma_start3A_58 = tpu.memref_squeeze %dma_start3A_57 : memref<1x128xi32, #tpu.memory_space<vmem>> -> memref<128xi32, #tpu.memory_space<vmem>>
    %dma_start3A_59 = arith.constant 0 : i32
    %dma_start3A_60 = arith.constant 0 : i32
    %dma_start3A_61 = tpu.memref_slice %arg2[%dma_start3A_59, %dma_start3A_60] : memref<10000x128xf32, #tpu.memory_space<hbm>> -> memref<10000x128xf32, #tpu.memory_space<hbm>>
    tpu.enqueue_indirect_dma source(%dma_start3A_61 : memref<10000x128xf32, #tpu.memory_space<hbm>>) target(%arg12 : memref<128x128xf32, #tpu.memory_space<vmem>>) offsets(%dma_start3A_58 : memref<128xi32, #tpu.memory_space<vmem>>) semaphore(%arg22 : memref<!tpu.dma_semaphore, #tpu.memory_space<semaphore_mem>>)
    %add3A_62 = arith.constant 64 : i32
    %add3A_63 = arith.addi %add3A, %add3A_62 : i32
    %mul3A_64 = arith.constant 128 : i32
    %mul3A_65 = arith.muli %add3A_63, %mul3A_64 : i32
    %dma_wait3A_66 = arith.constant 0 : i32
    %dma_wait3A_67 = tpu.memref_slice %arg3[%dma_wait3A_66, %mul3A_65] : memref<2x320000xi32, #tpu.memory_space<hbm>> -> memref<2x128xi32, #tpu.memory_space<hbm>>
    %dma_wait3A_68 = arith.constant 0 : i32
    %dma_wait3A_69 = tpu.memref_slice %arg3[%dma_wait3A_68, %mul3A_65] : memref<2x320000xi32, #tpu.memory_space<hbm>> -> memref<2x128xi32, #tpu.memory_space<hbm>>
    tpu.wait_dma2 semaphore(%arg17 : memref<!tpu.dma_semaphore, #tpu.memory_space<semaphore_mem>>) src(%dma_wait3A_69 : memref<2x128xi32, #tpu.memory_space<hbm>>) dst(%arg7 : memref<2x128xi32, #tpu.memory_space<vmem>>)
    %dma_start3A_70 = arith.constant 0 : i32
    %dma_start3A_71 = arith.constant 0 : i32
    %dma_start3A_72 = tpu.memref_slice %arg7[%dma_start3A_70, %dma_start3A_71] : memref<2x128xi32, #tpu.memory_space<vmem>> -> memref<1x128xi32, #tpu.memory_space<vmem>>
    %dma_start3A_73 = tpu.memref_squeeze %dma_start3A_72 : memref<1x128xi32, #tpu.memory_space<vmem>> -> memref<128xi32, #tpu.memory_space<vmem>>
    %dma_start3A_74 = arith.constant 0 : i32
    %dma_start3A_75 = arith.constant 0 : i32
    %dma_start3A_76 = tpu.memref_slice %arg2[%dma_start3A_74, %dma_start3A_75] : memref<10000x128xf32, #tpu.memory_space<hbm>> -> memref<10000x128xf32, #tpu.memory_space<hbm>>
    tpu.enqueue_indirect_dma source(%dma_start3A_76 : memref<10000x128xf32, #tpu.memory_space<hbm>>) target(%arg13 : memref<128x128xf32, #tpu.memory_space<vmem>>) offsets(%dma_start3A_73 : memref<128xi32, #tpu.memory_space<vmem>>) semaphore(%arg23 : memref<!tpu.dma_semaphore, #tpu.memory_space<semaphore_mem>>)
    %scan3A = arith.constant 0 : i32
    %scan3A_77 = arith.constant 80 : i32
    %scan3A_78 = arith.addi %scan3A, %scan3A_77 : i32
    %scan3A_79 = arith.constant 1 : i32
    scf.for %scan3A_122 = %scan3A to %scan3A_78 step %scan3A_79  : i32 {
      %mul3A_123 = arith.constant 1 : i32
      %mul3A_124 = arith.muli %scan3A_122, %mul3A_123 : i32
      %add3A_125 = arith.constant 0 : i32
      %add3A_126 = arith.addi %add3A_125, %mul3A_124 : i32
      %broadcast_in_dim3A = arith.constant 0.000000e+00 : f32
      %broadcast_in_dim3A_127 = vector.broadcast %broadcast_in_dim3A : f32 to vector<16xf32>
      %swap3A = arith.index_cast %add3A_126 : i32 to index
      %swap3A_128 = arith.constant 0 : index
      %swap3A_129 = tpu.vector_load %arg11[%swap3A, %swap3A_128] {strides = array<i32>} : memref<128x128xf32, #tpu.memory_space<vmem>>, vector<1x16xf32>,
      %swap3A_130 = vector.shape_cast %swap3A_129 : vector<1x16xf32> to vector<16xf32>
      %swap3A_131 = vector.shape_cast %broadcast_in_dim3A_127 : vector<16xf32> to vector<1x16xf32>
      tpu.vector_store %arg11[%swap3A, %swap3A_128], %swap3A_131 {strides = array<i32>} : memref<128x128xf32, #tpu.memory_space<vmem>>, vector<1x16xf32>,
      %broadcast_in_dim3A_132 = arith.constant 0.000000e+00 : f32
      %broadcast_in_dim3A_133 = vector.broadcast %broadcast_in_dim3A_132 : f32 to vector<16xf32>
      %swap3A_134 = arith.index_cast %add3A_126 : i32 to index
      %swap3A_135 = arith.constant 16 : index
      %swap3A_136 = tpu.vector_load %arg11[%swap3A_134, %swap3A_135] {strides = array<i32>} : memref<128x128xf32, #tpu.memory_space<vmem>>, vector<1x16xf32>,
      %swap3A_137 = vector.shape_cast %swap3A_136 : vector<1x16xf32> to vector<16xf32>
      %swap3A_138 = vector.shape_cast %broadcast_in_dim3A_133 : vector<16xf32> to vector<1x16xf32>
      tpu.vector_store %arg11[%swap3A_134, %swap3A_135], %swap3A_138 {strides = array<i32>} : memref<128x128xf32, #tpu.memory_space<vmem>>, vector<1x16xf32>,
      %broadcast_in_dim3A_139 = arith.constant 0.000000e+00 : f32
      %broadcast_in_dim3A_140 = vector.broadcast %broadcast_in_dim3A_139 : f32 to vector<16xf32>
      %swap3A_141 = arith.index_cast %add3A_126 : i32 to index
      %swap3A_142 = arith.constant 32 : index
      %swap3A_143 = tpu.vector_load %arg11[%swap3A_141, %swap3A_142] {strides = array<i32>} : memref<128x128xf32, #tpu.memory_space<vmem>>, vector<1x16xf32>,
      %swap3A_144 = vector.shape_cast %swap3A_143 : vector<1x16xf32> to vector<16xf32>
      %swap3A_145 = vector.shape_cast %broadcast_in_dim3A_140 : vector<16xf32> to vector<1x16xf32>
      tpu.vector_store %arg11[%swap3A_141, %swap3A_142], %swap3A_145 {strides = array<i32>} : memref<128x128xf32, #tpu.memory_space<vmem>>, vector<1x16xf32>,
      %broadcast_in_dim3A_146 = arith.constant 0.000000e+00 : f32
      %broadcast_in_dim3A_147 = vector.broadcast %broadcast_in_dim3A_146 : f32 to vector<16xf32>
      %swap3A_148 = arith.index_cast %add3A_126 : i32 to index
      %swap3A_149 = arith.constant 48 : index
      %swap3A_150 = tpu.vector_load %arg11[%swap3A_148, %swap3A_149] {strides = array<i32>} : memref<128x128xf32, #tpu.memory_space<vmem>>, vector<1x16xf32>,
      %swap3A_151 = vector.shape_cast %swap3A_150 : vector<1x16xf32> to vector<16xf32>
      %swap3A_152 = vector.shape_cast %broadcast_in_dim3A_147 : vector<16xf32> to vector<1x16xf32>
      tpu.vector_store %arg11[%swap3A_148, %swap3A_149], %swap3A_152 {strides = array<i32>} : memref<128x128xf32, #tpu.memory_space<vmem>>, vector<1x16xf32>,
      %broadcast_in_dim3A_153 = arith.constant 0.000000e+00 : f32
      %broadcast_in_dim3A_154 = vector.broadcast %broadcast_in_dim3A_153 : f32 to vector<16xf32>
      %swap3A_155 = arith.index_cast %add3A_126 : i32 to index
      %swap3A_156 = arith.constant 64 : index
      %swap3A_157 = tpu.vector_load %arg11[%swap3A_155, %swap3A_156] {strides = array<i32>} : memref<128x128xf32, #tpu.memory_space<vmem>>, vector<1x16xf32>,
      %swap3A_158 = vector.shape_cast %swap3A_157 : vector<1x16xf32> to vector<16xf32>
      %swap3A_159 = vector.shape_cast %broadcast_in_dim3A_154 : vector<16xf32> to vector<1x16xf32>
      tpu.vector_store %arg11[%swap3A_155, %swap3A_156], %swap3A_159 {strides = array<i32>} : memref<128x128xf32, #tpu.memory_space<vmem>>, vector<1x16xf32>,
      %broadcast_in_dim3A_160 = arith.constant 0.000000e+00 : f32
      %broadcast_in_dim3A_161 = vector.broadcast %broadcast_in_dim3A_160 : f32 to vector<16xf32>
      %swap3A_162 = arith.index_cast %add3A_126 : i32 to index
      %swap3A_163 = arith.constant 80 : index
      %swap3A_164 = tpu.vector_load %arg11[%swap3A_162, %swap3A_163] {strides = array<i32>} : memref<128x128xf32, #tpu.memory_space<vmem>>, vector<1x16xf32>,
      %swap3A_165 = vector.shape_cast %swap3A_164 : vector<1x16xf32> to vector<16xf32>
      %swap3A_166 = vector.shape_cast %broadcast_in_dim3A_161 : vector<16xf32> to vector<1x16xf32>
      tpu.vector_store %arg11[%swap3A_162, %swap3A_163], %swap3A_166 {strides = array<i32>} : memref<128x128xf32, #tpu.memory_space<vmem>>, vector<1x16xf32>,
      %broadcast_in_dim3A_167 = arith.constant 0.000000e+00 : f32
      %broadcast_in_dim3A_168 = vector.broadcast %broadcast_in_dim3A_167 : f32 to vector<16xf32>
      %swap3A_169 = arith.index_cast %add3A_126 : i32 to index
      %swap3A_170 = arith.constant 96 : index
      %swap3A_171 = tpu.vector_load %arg11[%swap3A_169, %swap3A_170] {strides = array<i32>} : memref<128x128xf32, #tpu.memory_space<vmem>>, vector<1x16xf32>,
      %swap3A_172 = vector.shape_cast %swap3A_171 : vector<1x16xf32> to vector<16xf32>
      %swap3A_173 = vector.shape_cast %broadcast_in_dim3A_168 : vector<16xf32> to vector<1x16xf32>
      tpu.vector_store %arg11[%swap3A_169, %swap3A_170], %swap3A_173 {strides = array<i32>} : memref<128x128xf32, #tpu.memory_space<vmem>>, vector<1x16xf32>,
      %broadcast_in_dim3A_174 = arith.constant 0.000000e+00 : f32
      %broadcast_in_dim3A_175 = vector.broadcast %broadcast_in_dim3A_174 : f32 to vector<16xf32>
      %swap3A_176 = arith.index_cast %add3A_126 : i32 to index
      %swap3A_177 = arith.constant 112 : index
      %swap3A_178 = tpu.vector_load %arg11[%swap3A_176, %swap3A_177] {strides = array<i32>} : memref<128x128xf32, #tpu.memory_space<vmem>>, vector<1x16xf32>,
      %swap3A_179 = vector.shape_cast %swap3A_178 : vector<1x16xf32> to vector<16xf32>
      %swap3A_180 = vector.shape_cast %broadcast_in_dim3A_175 : vector<16xf32> to vector<1x16xf32>
      tpu.vector_store %arg11[%swap3A_176, %swap3A_177], %swap3A_180 {strides = array<i32>} : memref<128x128xf32, #tpu.memory_space<vmem>>, vector<1x16xf32>,
    }
    %scan3A_80 = arith.constant 80 : i32
    %scan3A_81 = arith.constant 0 : i32
    %scan3A_82 = arith.constant 8 : i32
    %scan3A_83 = arith.addi %scan3A_81, %scan3A_82 : i32
    %scan3A_84 = arith.constant 1 : i32
    scf.for %scan3A_122 = %scan3A_81 to %scan3A_83 step %scan3A_84  : i32 {
      %mul3A_123 = arith.constant 1 : i32
      %mul3A_124 = arith.muli %scan3A_122, %mul3A_123 : i32
      %add3A_125 = arith.constant 0 : i32
      %add3A_126 = arith.addi %add3A_125, %mul3A_124 : i32
      %mul3A_127 = arith.constant 16 : i32
      %mul3A_128 = arith.muli %add3A_126, %mul3A_127 : i32
      %add3A_129 = arith.addi %arg1, %mul3A_128 : i32
      %lt3A = arith.constant 125 : i32
      %lt3A_130 = arith.cmpi slt, %add3A_129, %lt3A : i32
      %convert_element_type3A = arith.extui %lt3A_130 : i1 to i32
      %cond3A = arith.constant 0 : i32
      %cond3A_131 = arith.cmpi ne, %convert_element_type3A, %cond3A : i32
      scf.if %cond3A_131 {
        %mul3A_132 = arith.constant 80 : i32
        %mul3A_133 = arith.muli %add3A_129, %mul3A_132 : i32
        %dma_start3A_134 = arith.constant 0 : i32
        %dma_start3A_135 = arith.constant 0 : i32
        %dma_start3A_136 = tpu.memref_slice %arg11[%dma_start3A_134, %dma_start3A_135] : memref<128x128xf32, #tpu.memory_space<vmem>> -> memref<80x128xf32, #tpu.memory_space<vmem>>
        %dma_start3A_137 = arith.constant 0 : i32
        %dma_start3A_138 = tpu.memref_slice %arg14[%mul3A_133, %dma_start3A_137] : memref<10000x128xf32, #tpu.memory_space<vmem_shared>> -> memref<80x128xf32, #tpu.memory_space<vmem_shared>>
        %dma_start3A_139 = arith.constant 0 : i32
        %dma_start3A_140 = tpu.memref_slice %arg14[%mul3A_133, %dma_start3A_139] : memref<10000x128xf32, #tpu.memory_space<vmem_shared>> -> memref<80x128xf32, #tpu.memory_space<vmem_shared>>
        %dma_start3A_141 = arith.constant 0 : i32
        %dma_start3A_142 = arith.constant 0 : i32
        %dma_start3A_143 = tpu.memref_slice %arg11[%dma_start3A_141, %dma_start3A_142] : memref<128x128xf32, #tpu.memory_space<vmem>> -> memref<80x128xf32, #tpu.memory_space<vmem>>
        tpu.enqueue_dma source(%dma_start3A_143 : memref<80x128xf32, #tpu.memory_space<vmem>>) target(%dma_start3A_140 : memref<80x128xf32, #tpu.memory_space<vmem_shared>>) target_semaphore(%arg21 : memref<!tpu.dma_semaphore, #tpu.memory_space<semaphore_mem>>)
      } else {
      }
    }
    %scan3A_85 = arith.constant 8 : i32
    %scan3A_86 = arith.constant 0 : i32
    %scan3A_87 = arith.constant 8 : i32
    %scan3A_88 = arith.addi %scan3A_86, %scan3A_87 : i32
    %scan3A_89 = arith.constant 1 : i32
    scf.for %scan3A_122 = %scan3A_86 to %scan3A_88 step %scan3A_89  : i32 {
      %mul3A_123 = arith.constant 1 : i32
      %mul3A_124 = arith.muli %scan3A_122, %mul3A_123 : i32
      %add3A_125 = arith.constant 0 : i32
      %add3A_126 = arith.addi %add3A_125, %mul3A_124 : i32
      %mul3A_127 = arith.constant 16 : i32
      %mul3A_128 = arith.muli %add3A_126, %mul3A_127 : i32
      %add3A_129 = arith.addi %arg1, %mul3A_128 : i32
      %lt3A = arith.constant 125 : i32
      %lt3A_130 = arith.cmpi slt, %add3A_129, %lt3A : i32
      %convert_element_type3A = arith.extui %lt3A_130 : i1 to i32
      %cond3A = arith.constant 0 : i32
      %cond3A_131 = arith.cmpi ne, %convert_element_type3A, %cond3A : i32
      scf.if %cond3A_131 {
        %mul3A_132 = arith.constant 80 : i32
        %mul3A_133 = arith.muli %add3A_129, %mul3A_132 : i32
        %dma_wait3A_134 = arith.constant 0 : i32
        %dma_wait3A_135 = arith.constant 0 : i32
        %dma_wait3A_136 = tpu.memref_slice %arg11[%dma_wait3A_134, %dma_wait3A_135] : memref<128x128xf32, #tpu.memory_space<vmem>> -> memref<80x128xf32, #tpu.memory_space<vmem>>
        %dma_wait3A_137 = arith.constant 0 : i32
        %dma_wait3A_138 = tpu.memref_slice %arg14[%mul3A_133, %dma_wait3A_137] : memref<10000x128xf32, #tpu.memory_space<vmem_shared>> -> memref<80x128xf32, #tpu.memory_space<vmem_shared>>
        %dma_wait3A_139 = arith.constant 0 : i32
        %dma_wait3A_140 = tpu.memref_slice %arg14[%mul3A_133, %dma_wait3A_139] : memref<10000x128xf32, #tpu.memory_space<vmem_shared>> -> memref<80x128xf32, #tpu.memory_space<vmem_shared>>
        %dma_wait3A_141 = arith.constant 0 : i32
        %dma_wait3A_142 = arith.constant 0 : i32
        %dma_wait3A_143 = tpu.memref_slice %arg11[%dma_wait3A_141, %dma_wait3A_142] : memref<128x128xf32, #tpu.memory_space<vmem>> -> memref<80x128xf32, #tpu.memory_space<vmem>>
        tpu.wait_dma2 semaphore(%arg21 : memref<!tpu.dma_semaphore, #tpu.memory_space<semaphore_mem>>) src(%dma_wait3A_143 : memref<80x128xf32, #tpu.memory_space<vmem>>) dst(%dma_wait3A_140 : memref<80x128xf32, #tpu.memory_space<vmem_shared>>)
      } else {
      }
    }
    %scan3A_90 = arith.constant 8 : i32
    %add3A_91 = arith.constant 0 : i32
    %add3A_92 = arith.addi %add3A, %add3A_91 : i32
    %mul3A_93 = arith.constant 128 : i32
    %mul3A_94 = arith.muli %add3A_92, %mul3A_93 : i32
    %dma_wait3A_95 = arith.constant 0 : i32
    %dma_wait3A_96 = tpu.memref_slice %arg3[%dma_wait3A_95, %mul3A_94] : memref<2x320000xi32, #tpu.memory_space<hbm>> -> memref<2x128xi32, #tpu.memory_space<hbm>>
    %dma_wait3A_97 = arith.constant 0 : i32
    %dma_wait3A_98 = tpu.memref_slice %arg3[%dma_wait3A_97, %mul3A_94] : memref<2x320000xi32, #tpu.memory_space<hbm>> -> memref<2x128xi32, #tpu.memory_space<hbm>>
    tpu.wait_dma2 semaphore(%arg15 : memref<!tpu.dma_semaphore, #tpu.memory_space<semaphore_mem>>) src(%dma_wait3A_98 : memref<2x128xi32, #tpu.memory_space<hbm>>) dst(%arg5 : memref<2x128xi32, #tpu.memory_space<vmem>>)
    %dma_start3A_99 = arith.constant 0 : i32
    %dma_start3A_100 = arith.constant 0 : i32
    %dma_start3A_101 = tpu.memref_slice %arg5[%dma_start3A_99, %dma_start3A_100] : memref<2x128xi32, #tpu.memory_space<vmem>> -> memref<1x128xi32, #tpu.memory_space<vmem>>
    %dma_start3A_102 = tpu.memref_squeeze %dma_start3A_101 : memref<1x128xi32, #tpu.memory_space<vmem>> -> memref<128xi32, #tpu.memory_space<vmem>>
    %dma_start3A_103 = arith.constant 0 : i32
    %dma_start3A_104 = arith.constant 0 : i32
    %dma_start3A_105 = tpu.memref_slice %arg2[%dma_start3A_103, %dma_start3A_104] : memref<10000x128xf32, #tpu.memory_space<hbm>> -> memref<10000x128xf32, #tpu.memory_space<hbm>>
    tpu.enqueue_indirect_dma source(%dma_start3A_105 : memref<10000x128xf32, #tpu.memory_space<hbm>>) target(%arg11 : memref<128x128xf32, #tpu.memory_space<vmem>>) offsets(%dma_start3A_102 : memref<128xi32, #tpu.memory_space<vmem>>) semaphore(%arg21 : memref<!tpu.dma_semaphore, #tpu.memory_space<semaphore_mem>>)
    %barrier3A = arith.constant 0 : index
    tpu.barrier barrier_id(%barrier3A)
    %scan3A_106 = arith.constant 0 : i32
    %scan3A_107 = arith.constant 14 : i32
    %scan3A_108 = arith.addi %scan3A_106, %scan3A_107 : i32
    %scan3A_109 = arith.constant 1 : i32
    scf.for %scan3A_122 = %scan3A_106 to %scan3A_108 step %scan3A_109  : i32 {
      %mul3A_123 = arith.constant 1 : i32
      %mul3A_124 = arith.muli %scan3A_122, %mul3A_123 : i32
      %add3A_125 = arith.constant 0 : i32
      %add3A_126 = arith.addi %add3A_125, %mul3A_124 : i32
      %mul3A_127 = arith.constant 6 : i32
      %mul3A_128 = arith.muli %mul3A_127, %add3A_126 : i32
      %add3A_129 = arith.constant 0 : i32
      %add3A_130 = arith.addi %mul3A_128, %add3A_129 : i32
      %mul3A_131 = arith.constant 32 : i32
      %mul3A_132 = arith.muli %add3A_130, %mul3A_131 : i32
      %add3A_133 = arith.addi %add3A, %mul3A_132 : i32
      %lt3A = arith.constant 2500 : i32
      %lt3A_134 = arith.cmpi slt, %add3A_133, %lt3A : i32
      %convert_element_type3A = arith.extui %lt3A_134 : i1 to i32
      %cond3A = arith.constant 0 : i32
      %cond3A_135 = arith.cmpi ne, %convert_element_type3A, %cond3A : i32
      scf.if %cond3A_135 {
        %dma_wait3A_316 = arith.constant 0 : i32
        %dma_wait3A_317 = arith.constant 0 : i32
        %dma_wait3A_318 = tpu.memref_slice %arg5[%dma_wait3A_316, %dma_wait3A_317] : memref<2x128xi32, #tpu.memory_space<vmem>> -> memref<1x128xi32, #tpu.memory_space<vmem>>
        %dma_wait3A_319 = tpu.memref_squeeze %dma_wait3A_318 : memref<1x128xi32, #tpu.memory_space<vmem>> -> memref<128xi32, #tpu.memory_space<vmem>>
        %dma_wait3A_320 = arith.constant 0 : i32
        %dma_wait3A_321 = arith.constant 0 : i32
        %dma_wait3A_322 = tpu.memref_slice %arg2[%dma_wait3A_320, %dma_wait3A_321] : memref<10000x128xf32, #tpu.memory_space<hbm>> -> memref<10000x128xf32, #tpu.memory_space<hbm>>
        tpu.wait_indirect_dma semaphore(%arg21 : memref<!tpu.dma_semaphore, #tpu.memory_space<semaphore_mem>>) src(%dma_wait3A_322 : memref<10000x128xf32, #tpu.memory_space<hbm>>) dst(%arg11 : memref<128x128xf32, #tpu.memory_space<vmem>>)
        %run_scoped3A = arith.constant 1 : i32
        "tpu.region"() ({
          %run_scoped3A_323 = tpu.sem_alloc : memref<!tpu.dma_semaphore, #tpu.memory_space<semaphore_mem>>
          %dma_start3A_324 = arith.constant 0 : i32
          %dma_start3A_325 = tpu.memref_slice %arg5[%run_scoped3A, %dma_start3A_324] : memref<2x128xi32, #tpu.memory_space<vmem>> -> memref<1x128xi32, #tpu.memory_space<vmem>>
          %dma_start3A_326 = tpu.memref_squeeze %dma_start3A_325 : memref<1x128xi32, #tpu.memory_space<vmem>> -> memref<128xi32, #tpu.memory_space<vmem>>
          %dma_start3A_327 = arith.constant 0 : i32
          %dma_start3A_328 = arith.constant 0 : i32
          %dma_start3A_329 = tpu.memref_slice %arg14[%dma_start3A_327, %dma_start3A_328] : memref<10000x128xf32, #tpu.memory_space<vmem_shared>> -> memref<10000x128xf32, #tpu.memory_space<vmem_shared>>
          tpu.enqueue_indirect_dma source(%arg11 : memref<128x128xf32, #tpu.memory_space<vmem>>) target(%dma_start3A_329 : memref<10000x128xf32, #tpu.memory_space<vmem_shared>>) offsets(%dma_start3A_326 : memref<128xi32, #tpu.memory_space<vmem>>) semaphore(%run_scoped3A_323 : memref<!tpu.dma_semaphore, #tpu.memory_space<semaphore_mem>>) {add = true}
          %dma_wait3A_330 = arith.constant 0 : i32
          %dma_wait3A_331 = tpu.memref_slice %arg5[%run_scoped3A, %dma_wait3A_330] : memref<2x128xi32, #tpu.memory_space<vmem>> -> memref<1x128xi32, #tpu.memory_space<vmem>>
          %dma_wait3A_332 = tpu.memref_squeeze %dma_wait3A_331 : memref<1x128xi32, #tpu.memory_space<vmem>> -> memref<128xi32, #tpu.memory_space<vmem>>
          %dma_wait3A_333 = arith.constant 0 : i32
          %dma_wait3A_334 = arith.constant 0 : i32
          %dma_wait3A_335 = tpu.memref_slice %arg14[%dma_wait3A_333, %dma_wait3A_334] : memref<10000x128xf32, #tpu.memory_space<vmem_shared>> -> memref<10000x128xf32, #tpu.memory_space<vmem_shared>>
          tpu.wait_indirect_dma semaphore(%run_scoped3A_323 : memref<!tpu.dma_semaphore, #tpu.memory_space<semaphore_mem>>) src(%arg11 : memref<128x128xf32, #tpu.memory_space<vmem>>) dst(%dma_wait3A_335 : memref<10000x128xf32, #tpu.memory_space<vmem_shared>>)
          tpu.yield
        }) : () -> ()
      } else {
      }
      %add3A_136 = arith.constant 3 : i32
      %add3A_137 = arith.addi %add3A_130, %add3A_136 : i32
      %mul3A_138 = arith.constant 32 : i32
      %mul3A_139 = arith.muli %add3A_137, %mul3A_138 : i32
      %add3A_140 = arith.addi %add3A, %mul3A_139 : i32
      %lt3A_141 = arith.constant 2500 : i32
      %lt3A_142 = arith.cmpi slt, %add3A_140, %lt3A_141 : i32
      %convert_element_type3A_143 = arith.extui %lt3A_142 : i1 to i32
      %cond3A_144 = arith.constant 0 : i32
      %cond3A_145 = arith.cmpi ne, %convert_element_type3A_143, %cond3A_144 : i32
      scf.if %cond3A_145 {
        %add3A_316 = arith.constant 3 : i32
        %add3A_317 = arith.addi %add3A_130, %add3A_316 : i32
        %mul3A_318 = arith.constant 32 : i32
        %mul3A_319 = arith.muli %add3A_317, %mul3A_318 : i32
        %add3A_320 = arith.addi %add3A, %mul3A_319 : i32
        %mul3A_321 = arith.constant 128 : i32
        %mul3A_322 = arith.muli %add3A_320, %mul3A_321 : i32
        %dma_wait3A_323 = arith.constant 0 : i32
        %dma_wait3A_324 = tpu.memref_slice %arg3[%dma_wait3A_323, %mul3A_322] : memref<2x320000xi32, #tpu.memory_space<hbm>> -> memref<2x128xi32, #tpu.memory_space<hbm>>
        %dma_wait3A_325 = arith.constant 0 : i32
        %dma_wait3A_326 = tpu.memref_slice %arg3[%dma_wait3A_325, %mul3A_322] : memref<2x320000xi32, #tpu.memory_space<hbm>> -> memref<2x128xi32, #tpu.memory_space<hbm>>
        tpu.wait_dma2 semaphore(%arg18 : memref<!tpu.dma_semaphore, #tpu.memory_space<semaphore_mem>>) src(%dma_wait3A_326 : memref<2x128xi32, #tpu.memory_space<hbm>>) dst(%arg8 : memref<2x128xi32, #tpu.memory_space<vmem>>)
        %dma_start3A_327 = arith.constant 0 : i32
        %dma_start3A_328 = arith.constant 0 : i32
        %dma_start3A_329 = tpu.memref_slice %arg8[%dma_start3A_327, %dma_start3A_328] : memref<2x128xi32, #tpu.memory_space<vmem>> -> memref<1x128xi32, #tpu.memory_space<vmem>>
        %dma_start3A_330 = tpu.memref_squeeze %dma_start3A_329 : memref<1x128xi32, #tpu.memory_space<vmem>> -> memref<128xi32, #tpu.memory_space<vmem>>
        %dma_start3A_331 = arith.constant 0 : i32
        %dma_start3A_332 = arith.constant 0 : i32
        %dma_start3A_333 = tpu.memref_slice %arg2[%dma_start3A_331, %dma_start3A_332] : memref<10000x128xf32, #tpu.memory_space<hbm>> -> memref<10000x128xf32, #tpu.memory_space<hbm>>
        tpu.enqueue_indirect_dma source(%dma_start3A_333 : memref<10000x128xf32, #tpu.memory_space<hbm>>) target(%arg11 : memref<128x128xf32, #tpu.memory_space<vmem>>) offsets(%dma_start3A_330 : memref<128xi32, #tpu.memory_space<vmem>>) semaphore(%arg21 : memref<!tpu.dma_semaphore, #tpu.memory_space<semaphore_mem>>)
      } else {
      }
      %add3A_146 = arith.constant 6 : i32
      %add3A_147 = arith.addi %add3A_130, %add3A_146 : i32
      %mul3A_148 = arith.constant 32 : i32
      %mul3A_149 = arith.muli %add3A_147, %mul3A_148 : i32
      %add3A_150 = arith.addi %add3A, %mul3A_149 : i32
      %lt3A_151 = arith.constant 2500 : i32
      %lt3A_152 = arith.cmpi slt, %add3A_150, %lt3A_151 : i32
      %convert_element_type3A_153 = arith.extui %lt3A_152 : i1 to i32
      %cond3A_154 = arith.constant 0 : i32
      %cond3A_155 = arith.cmpi ne, %convert_element_type3A_153, %cond3A_154 : i32
      scf.if %cond3A_155 {
        %add3A_316 = arith.constant 6 : i32
        %add3A_317 = arith.addi %add3A_130, %add3A_316 : i32
        %mul3A_318 = arith.constant 32 : i32
        %mul3A_319 = arith.muli %add3A_317, %mul3A_318 : i32
        %add3A_320 = arith.addi %add3A, %mul3A_319 : i32
        %mul3A_321 = arith.constant 128 : i32
        %mul3A_322 = arith.muli %add3A_320, %mul3A_321 : i32
        %dma_start3A_323 = arith.constant 0 : i32
        %dma_start3A_324 = tpu.memref_slice %arg3[%dma_start3A_323, %mul3A_322] : memref<2x320000xi32, #tpu.memory_space<hbm>> -> memref<2x128xi32, #tpu.memory_space<hbm>>
        %dma_start3A_325 = arith.constant 0 : i32
        %dma_start3A_326 = tpu.memref_slice %arg3[%dma_start3A_325, %mul3A_322] : memref<2x320000xi32, #tpu.memory_space<hbm>> -> memref<2x128xi32, #tpu.memory_space<hbm>>
        tpu.enqueue_dma source(%dma_start3A_326 : memref<2x128xi32, #tpu.memory_space<hbm>>) target(%arg5 : memref<2x128xi32, #tpu.memory_space<vmem>>) target_semaphore(%arg15 : memref<!tpu.dma_semaphore, #tpu.memory_space<semaphore_mem>>)
      } else {
      }
      %mul3A_156 = arith.constant 6 : i32
      %mul3A_157 = arith.muli %mul3A_156, %add3A_126 : i32
      %add3A_158 = arith.constant 1 : i32
      %add3A_159 = arith.addi %mul3A_157, %add3A_158 : i32
      %mul3A_160 = arith.constant 32 : i32
      %mul3A_161 = arith.muli %add3A_159, %mul3A_160 : i32
      %add3A_162 = arith.addi %add3A, %mul3A_161 : i32
      %lt3A_163 = arith.constant 2500 : i32
      %lt3A_164 = arith.cmpi slt, %add3A_162, %lt3A_163 : i32
      %convert_element_type3A_165 = arith.extui %lt3A_164 : i1 to i32
      %cond3A_166 = arith.constant 0 : i32
      %cond3A_167 = arith.cmpi ne, %convert_element_type3A_165, %cond3A_166 : i32
      scf.if %cond3A_167 {
        %dma_wait3A_316 = arith.constant 0 : i32
        %dma_wait3A_317 = arith.constant 0 : i32
        %dma_wait3A_318 = tpu.memref_slice %arg6[%dma_wait3A_316, %dma_wait3A_317] : memref<2x128xi32, #tpu.memory_space<vmem>> -> memref<1x128xi32, #tpu.memory_space<vmem>>
        %dma_wait3A_319 = tpu.memref_squeeze %dma_wait3A_318 : memref<1x128xi32, #tpu.memory_space<vmem>> -> memref<128xi32, #tpu.memory_space<vmem>>
        %dma_wait3A_320 = arith.constant 0 : i32
        %dma_wait3A_321 = arith.constant 0 : i32
        %dma_wait3A_322 = tpu.memref_slice %arg2[%dma_wait3A_320, %dma_wait3A_321] : memref<10000x128xf32, #tpu.memory_space<hbm>> -> memref<10000x128xf32, #tpu.memory_space<hbm>>
        tpu.wait_indirect_dma semaphore(%arg22 : memref<!tpu.dma_semaphore, #tpu.memory_space<semaphore_mem>>) src(%dma_wait3A_322 : memref<10000x128xf32, #tpu.memory_space<hbm>>) dst(%arg12 : memref<128x128xf32, #tpu.memory_space<vmem>>)
        %run_scoped3A = arith.constant 1 : i32
        "tpu.region"() ({
          %run_scoped3A_323 = tpu.sem_alloc : memref<!tpu.dma_semaphore, #tpu.memory_space<semaphore_mem>>
          %dma_start3A_324 = arith.constant 0 : i32
          %dma_start3A_325 = tpu.memref_slice %arg6[%run_scoped3A, %dma_start3A_324] : memref<2x128xi32, #tpu.memory_space<vmem>> -> memref<1x128xi32, #tpu.memory_space<vmem>>
          %dma_start3A_326 = tpu.memref_squeeze %dma_start3A_325 : memref<1x128xi32, #tpu.memory_space<vmem>> -> memref<128xi32, #tpu.memory_space<vmem>>
          %dma_start3A_327 = arith.constant 0 : i32
          %dma_start3A_328 = arith.constant 0 : i32
          %dma_start3A_329 = tpu.memref_slice %arg14[%dma_start3A_327, %dma_start3A_328] : memref<10000x128xf32, #tpu.memory_space<vmem_shared>> -> memref<10000x128xf32, #tpu.memory_space<vmem_shared>>
          tpu.enqueue_indirect_dma source(%arg12 : memref<128x128xf32, #tpu.memory_space<vmem>>) target(%dma_start3A_329 : memref<10000x128xf32, #tpu.memory_space<vmem_shared>>) offsets(%dma_start3A_326 : memref<128xi32, #tpu.memory_space<vmem>>) semaphore(%run_scoped3A_323 : memref<!tpu.dma_semaphore, #tpu.memory_space<semaphore_mem>>) {add = true}
          %dma_wait3A_330 = arith.constant 0 : i32
          %dma_wait3A_331 = tpu.memref_slice %arg6[%run_scoped3A, %dma_wait3A_330] : memref<2x128xi32, #tpu.memory_space<vmem>> -> memref<1x128xi32, #tpu.memory_space<vmem>>
          %dma_wait3A_332 = tpu.memref_squeeze %dma_wait3A_331 : memref<1x128xi32, #tpu.memory_space<vmem>> -> memref<128xi32, #tpu.memory_space<vmem>>
          %dma_wait3A_333 = arith.constant 0 : i32
          %dma_wait3A_334 = arith.constant 0 : i32
          %dma_wait3A_335 = tpu.memref_slice %arg14[%dma_wait3A_333, %dma_wait3A_334] : memref<10000x128xf32, #tpu.memory_space<vmem_shared>> -> memref<10000x128xf32, #tpu.memory_space<vmem_shared>>
          tpu.wait_indirect_dma semaphore(%run_scoped3A_323 : memref<!tpu.dma_semaphore, #tpu.memory_space<semaphore_mem>>) src(%arg12 : memref<128x128xf32, #tpu.memory_space<vmem>>) dst(%dma_wait3A_335 : memref<10000x128xf32, #tpu.memory_space<vmem_shared>>)
          tpu.yield
        }) : () -> ()
      } else {
      }
      %add3A_168 = arith.constant 3 : i32
      %add3A_169 = arith.addi %add3A_159, %add3A_168 : i32
      %mul3A_170 = arith.constant 32 : i32
      %mul3A_171 = arith.muli %add3A_169, %mul3A_170 : i32
      %add3A_172 = arith.addi %add3A, %mul3A_171 : i32
      %lt3A_173 = arith.constant 2500 : i32
      %lt3A_174 = arith.cmpi slt, %add3A_172, %lt3A_173 : i32
      %convert_element_type3A_175 = arith.extui %lt3A_174 : i1 to i32
      %cond3A_176 = arith.constant 0 : i32
      %cond3A_177 = arith.cmpi ne, %convert_element_type3A_175, %cond3A_176 : i32
      scf.if %cond3A_177 {
        %add3A_316 = arith.constant 3 : i32
        %add3A_317 = arith.addi %add3A_159, %add3A_316 : i32
        %mul3A_318 = arith.constant 32 : i32
        %mul3A_319 = arith.muli %add3A_317, %mul3A_318 : i32
        %add3A_320 = arith.addi %add3A, %mul3A_319 : i32
        %mul3A_321 = arith.constant 128 : i32
        %mul3A_322 = arith.muli %add3A_320, %mul3A_321 : i32
        %dma_wait3A_323 = arith.constant 0 : i32
        %dma_wait3A_324 = tpu.memref_slice %arg3[%dma_wait3A_323, %mul3A_322] : memref<2x320000xi32, #tpu.memory_space<hbm>> -> memref<2x128xi32, #tpu.memory_space<hbm>>
        %dma_wait3A_325 = arith.constant 0 : i32
        %dma_wait3A_326 = tpu.memref_slice %arg3[%dma_wait3A_325, %mul3A_322] : memref<2x320000xi32, #tpu.memory_space<hbm>> -> memref<2x128xi32, #tpu.memory_space<hbm>>
        tpu.wait_dma2 semaphore(%arg19 : memref<!tpu.dma_semaphore, #tpu.memory_space<semaphore_mem>>) src(%dma_wait3A_326 : memref<2x128xi32, #tpu.memory_space<hbm>>) dst(%arg9 : memref<2x128xi32, #tpu.memory_space<vmem>>)
        %dma_start3A_327 = arith.constant 0 : i32
        %dma_start3A_328 = arith.constant 0 : i32
        %dma_start3A_329 = tpu.memref_slice %arg9[%dma_start3A_327, %dma_start3A_328] : memref<2x128xi32, #tpu.memory_space<vmem>> -> memref<1x128xi32, #tpu.memory_space<vmem>>
        %dma_start3A_330 = tpu.memref_squeeze %dma_start3A_329 : memref<1x128xi32, #tpu.memory_space<vmem>> -> memref<128xi32, #tpu.memory_space<vmem>>
        %dma_start3A_331 = arith.constant 0 : i32
        %dma_start3A_332 = arith.constant 0 : i32
        %dma_start3A_333 = tpu.memref_slice %arg2[%dma_start3A_331, %dma_start3A_332] : memref<10000x128xf32, #tpu.memory_space<hbm>> -> memref<10000x128xf32, #tpu.memory_space<hbm>>
        tpu.enqueue_indirect_dma source(%dma_start3A_333 : memref<10000x128xf32, #tpu.memory_space<hbm>>) target(%arg12 : memref<128x128xf32, #tpu.memory_space<vmem>>) offsets(%dma_start3A_330 : memref<128xi32, #tpu.memory_space<vmem>>) semaphore(%arg22 : memref<!tpu.dma_semaphore, #tpu.memory_space<semaphore_mem>>)
      } else {
      }
      %add3A_178 = arith.constant 6 : i32
      %add3A_179 = arith.addi %add3A_159, %add3A_178 : i32
      %mul3A_180 = arith.constant 32 : i32
      %mul3A_181 = arith.muli %add3A_179, %mul3A_180 : i32
      %add3A_182 = arith.addi %add3A, %mul3A_181 : i32
      %lt3A_183 = arith.constant 2500 : i32
      %lt3A_184 = arith.cmpi slt, %add3A_182, %lt3A_183 : i32
      %convert_element_type3A_185 = arith.extui %lt3A_184 : i1 to i32
      %cond3A_186 = arith.constant 0 : i32
      %cond3A_187 = arith.cmpi ne, %convert_element_type3A_185, %cond3A_186 : i32
      scf.if %cond3A_187 {
        %add3A_316 = arith.constant 6 : i32
        %add3A_317 = arith.addi %add3A_159, %add3A_316 : i32
        %mul3A_318 = arith.constant 32 : i32
        %mul3A_319 = arith.muli %add3A_317, %mul3A_318 : i32
        %add3A_320 = arith.addi %add3A, %mul3A_319 : i32
        %mul3A_321 = arith.constant 128 : i32
        %mul3A_322 = arith.muli %add3A_320, %mul3A_321 : i32
        %dma_start3A_323 = arith.constant 0 : i32
        %dma_start3A_324 = tpu.memref_slice %arg3[%dma_start3A_323, %mul3A_322] : memref<2x320000xi32, #tpu.memory_space<hbm>> -> memref<2x128xi32, #tpu.memory_space<hbm>>
        %dma_start3A_325 = arith.constant 0 : i32
        %dma_start3A_326 = tpu.memref_slice %arg3[%dma_start3A_325, %mul3A_322] : memref<2x320000xi32, #tpu.memory_space<hbm>> -> memref<2x128xi32, #tpu.memory_space<hbm>>
        tpu.enqueue_dma source(%dma_start3A_326 : memref<2x128xi32, #tpu.memory_space<hbm>>) target(%arg6 : memref<2x128xi32, #tpu.memory_space<vmem>>) target_semaphore(%arg16 : memref<!tpu.dma_semaphore, #tpu.memory_space<semaphore_mem>>)
      } else {
      }
      %mul3A_188 = arith.constant 6 : i32
      %mul3A_189 = arith.muli %mul3A_188, %add3A_126 : i32
      %add3A_190 = arith.constant 2 : i32
      %add3A_191 = arith.addi %mul3A_189, %add3A_190 : i32
      %mul3A_192 = arith.constant 32 : i32
      %mul3A_193 = arith.muli %add3A_191, %mul3A_192 : i32
      %add3A_194 = arith.addi %add3A, %mul3A_193 : i32
      %lt3A_195 = arith.constant 2500 : i32
      %lt3A_196 = arith.cmpi slt, %add3A_194, %lt3A_195 : i32
      %convert_element_type3A_197 = arith.extui %lt3A_196 : i1 to i32
      %cond3A_198 = arith.constant 0 : i32
      %cond3A_199 = arith.cmpi ne, %convert_element_type3A_197, %cond3A_198 : i32
      scf.if %cond3A_199 {
        %dma_wait3A_316 = arith.constant 0 : i32
        %dma_wait3A_317 = arith.constant 0 : i32
        %dma_wait3A_318 = tpu.memref_slice %arg7[%dma_wait3A_316, %dma_wait3A_317] : memref<2x128xi32, #tpu.memory_space<vmem>> -> memref<1x128xi32, #tpu.memory_space<vmem>>
        %dma_wait3A_319 = tpu.memref_squeeze %dma_wait3A_318 : memref<1x128xi32, #tpu.memory_space<vmem>> -> memref<128xi32, #tpu.memory_space<vmem>>
        %dma_wait3A_320 = arith.constant 0 : i32
        %dma_wait3A_321 = arith.constant 0 : i32
        %dma_wait3A_322 = tpu.memref_slice %arg2[%dma_wait3A_320, %dma_wait3A_321] : memref<10000x128xf32, #tpu.memory_space<hbm>> -> memref<10000x128xf32, #tpu.memory_space<hbm>>
        tpu.wait_indirect_dma semaphore(%arg23 : memref<!tpu.dma_semaphore, #tpu.memory_space<semaphore_mem>>) src(%dma_wait3A_322 : memref<10000x128xf32, #tpu.memory_space<hbm>>) dst(%arg13 : memref<128x128xf32, #tpu.memory_space<vmem>>)
        %run_scoped3A = arith.constant 1 : i32
        "tpu.region"() ({
          %run_scoped3A_323 = tpu.sem_alloc : memref<!tpu.dma_semaphore, #tpu.memory_space<semaphore_mem>>
          %dma_start3A_324 = arith.constant 0 : i32
          %dma_start3A_325 = tpu.memref_slice %arg7[%run_scoped3A, %dma_start3A_324] : memref<2x128xi32, #tpu.memory_space<vmem>> -> memref<1x128xi32, #tpu.memory_space<vmem>>
          %dma_start3A_326 = tpu.memref_squeeze %dma_start3A_325 : memref<1x128xi32, #tpu.memory_space<vmem>> -> memref<128xi32, #tpu.memory_space<vmem>>
          %dma_start3A_327 = arith.constant 0 : i32
          %dma_start3A_328 = arith.constant 0 : i32
          %dma_start3A_329 = tpu.memref_slice %arg14[%dma_start3A_327, %dma_start3A_328] : memref<10000x128xf32, #tpu.memory_space<vmem_shared>> -> memref<10000x128xf32, #tpu.memory_space<vmem_shared>>
          tpu.enqueue_indirect_dma source(%arg13 : memref<128x128xf32, #tpu.memory_space<vmem>>) target(%dma_start3A_329 : memref<10000x128xf32, #tpu.memory_space<vmem_shared>>) offsets(%dma_start3A_326 : memref<128xi32, #tpu.memory_space<vmem>>) semaphore(%run_scoped3A_323 : memref<!tpu.dma_semaphore, #tpu.memory_space<semaphore_mem>>) {add = true}
          %dma_wait3A_330 = arith.constant 0 : i32
          %dma_wait3A_331 = tpu.memref_slice %arg7[%run_scoped3A, %dma_wait3A_330] : memref<2x128xi32, #tpu.memory_space<vmem>> -> memref<1x128xi32, #tpu.memory_space<vmem>>
          %dma_wait3A_332 = tpu.memref_squeeze %dma_wait3A_331 : memref<1x128xi32, #tpu.memory_space<vmem>> -> memref<128xi32, #tpu.memory_space<vmem>>
          %dma_wait3A_333 = arith.constant 0 : i32
          %dma_wait3A_334 = arith.constant 0 : i32
          %dma_wait3A_335 = tpu.memref_slice %arg14[%dma_wait3A_333, %dma_wait3A_334] : memref<10000x128xf32, #tpu.memory_space<vmem_shared>> -> memref<10000x128xf32, #tpu.memory_space<vmem_shared>>
          tpu.wait_indirect_dma semaphore(%run_scoped3A_323 : memref<!tpu.dma_semaphore, #tpu.memory_space<semaphore_mem>>) src(%arg13 : memref<128x128xf32, #tpu.memory_space<vmem>>) dst(%dma_wait3A_335 : memref<10000x128xf32, #tpu.memory_space<vmem_shared>>)
          tpu.yield
        }) : () -> ()
      } else {
      }
      %add3A_200 = arith.constant 3 : i32
      %add3A_201 = arith.addi %add3A_191, %add3A_200 : i32
      %mul3A_202 = arith.constant 32 : i32
      %mul3A_203 = arith.muli %add3A_201, %mul3A_202 : i32
      %add3A_204 = arith.addi %add3A, %mul3A_203 : i32
      %lt3A_205 = arith.constant 2500 : i32
      %lt3A_206 = arith.cmpi slt, %add3A_204, %lt3A_205 : i32
      %convert_element_type3A_207 = arith.extui %lt3A_206 : i1 to i32
      %cond3A_208 = arith.constant 0 : i32
      %cond3A_209 = arith.cmpi ne, %convert_element_type3A_207, %cond3A_208 : i32
      scf.if %cond3A_209 {
        %add3A_316 = arith.constant 3 : i32
        %add3A_317 = arith.addi %add3A_191, %add3A_316 : i32
        %mul3A_318 = arith.constant 32 : i32
        %mul3A_319 = arith.muli %add3A_317, %mul3A_318 : i32
        %add3A_320 = arith.addi %add3A, %mul3A_319 : i32
        %mul3A_321 = arith.constant 128 : i32
        %mul3A_322 = arith.muli %add3A_320, %mul3A_321 : i32
        %dma_wait3A_323 = arith.constant 0 : i32
        %dma_wait3A_324 = tpu.memref_slice %arg3[%dma_wait3A_323, %mul3A_322] : memref<2x320000xi32, #tpu.memory_space<hbm>> -> memref<2x128xi32, #tpu.memory_space<hbm>>
        %dma_wait3A_325 = arith.constant 0 : i32
        %dma_wait3A_326 = tpu.memref_slice %arg3[%dma_wait3A_325, %mul3A_322] : memref<2x320000xi32, #tpu.memory_space<hbm>> -> memref<2x128xi32, #tpu.memory_space<hbm>>
        tpu.wait_dma2 semaphore(%arg20 : memref<!tpu.dma_semaphore, #tpu.memory_space<semaphore_mem>>) src(%dma_wait3A_326 : memref<2x128xi32, #tpu.memory_space<hbm>>) dst(%arg10 : memref<2x128xi32, #tpu.memory_space<vmem>>)
        %dma_start3A_327 = arith.constant 0 : i32
        %dma_start3A_328 = arith.constant 0 : i32
        %dma_start3A_329 = tpu.memref_slice %arg10[%dma_start3A_327, %dma_start3A_328] : memref<2x128xi32, #tpu.memory_space<vmem>> -> memref<1x128xi32, #tpu.memory_space<vmem>>
        %dma_start3A_330 = tpu.memref_squeeze %dma_start3A_329 : memref<1x128xi32, #tpu.memory_space<vmem>> -> memref<128xi32, #tpu.memory_space<vmem>>
        %dma_start3A_331 = arith.constant 0 : i32
        %dma_start3A_332 = arith.constant 0 : i32
        %dma_start3A_333 = tpu.memref_slice %arg2[%dma_start3A_331, %dma_start3A_332] : memref<10000x128xf32, #tpu.memory_space<hbm>> -> memref<10000x128xf32, #tpu.memory_space<hbm>>
        tpu.enqueue_indirect_dma source(%dma_start3A_333 : memref<10000x128xf32, #tpu.memory_space<hbm>>) target(%arg13 : memref<128x128xf32, #tpu.memory_space<vmem>>) offsets(%dma_start3A_330 : memref<128xi32, #tpu.memory_space<vmem>>) semaphore(%arg23 : memref<!tpu.dma_semaphore, #tpu.memory_space<semaphore_mem>>)
      } else {
      }
      %add3A_210 = arith.constant 6 : i32
      %add3A_211 = arith.addi %add3A_191, %add3A_210 : i32
      %mul3A_212 = arith.constant 32 : i32
      %mul3A_213 = arith.muli %add3A_211, %mul3A_212 : i32
      %add3A_214 = arith.addi %add3A, %mul3A_213 : i32
      %lt3A_215 = arith.constant 2500 : i32
      %lt3A_216 = arith.cmpi slt, %add3A_214, %lt3A_215 : i32
      %convert_element_type3A_217 = arith.extui %lt3A_216 : i1 to i32
      %cond3A_218 = arith.constant 0 : i32
      %cond3A_219 = arith.cmpi ne, %convert_element_type3A_217, %cond3A_218 : i32
      scf.if %cond3A_219 {
        %add3A_316 = arith.constant 6 : i32
        %add3A_317 = arith.addi %add3A_191, %add3A_316 : i32
        %mul3A_318 = arith.constant 32 : i32
        %mul3A_319 = arith.muli %add3A_317, %mul3A_318 : i32
        %add3A_320 = arith.addi %add3A, %mul3A_319 : i32
        %mul3A_321 = arith.constant 128 : i32
        %mul3A_322 = arith.muli %add3A_320, %mul3A_321 : i32
        %dma_start3A_323 = arith.constant 0 : i32
        %dma_start3A_324 = tpu.memref_slice %arg3[%dma_start3A_323, %mul3A_322] : memref<2x320000xi32, #tpu.memory_space<hbm>> -> memref<2x128xi32, #tpu.memory_space<hbm>>
        %dma_start3A_325 = arith.constant 0 : i32
        %dma_start3A_326 = tpu.memref_slice %arg3[%dma_start3A_325, %mul3A_322] : memref<2x320000xi32, #tpu.memory_space<hbm>> -> memref<2x128xi32, #tpu.memory_space<hbm>>
        tpu.enqueue_dma source(%dma_start3A_326 : memref<2x128xi32, #tpu.memory_space<hbm>>) target(%arg7 : memref<2x128xi32, #tpu.memory_space<vmem>>) target_semaphore(%arg17 : memref<!tpu.dma_semaphore, #tpu.memory_space<semaphore_mem>>)
      } else {
      }
      %mul3A_220 = arith.constant 6 : i32
      %mul3A_221 = arith.muli %mul3A_220, %add3A_126 : i32
      %add3A_222 = arith.constant 3 : i32
      %add3A_223 = arith.addi %mul3A_221, %add3A_222 : i32
      %mul3A_224 = arith.constant 32 : i32
      %mul3A_225 = arith.muli %add3A_223, %mul3A_224 : i32
      %add3A_226 = arith.addi %add3A, %mul3A_225 : i32
      %lt3A_227 = arith.constant 2500 : i32
      %lt3A_228 = arith.cmpi slt, %add3A_226, %lt3A_227 : i32
      %convert_element_type3A_229 = arith.extui %lt3A_228 : i1 to i32
      %cond3A_230 = arith.constant 0 : i32
      %cond3A_231 = arith.cmpi ne, %convert_element_type3A_229, %cond3A_230 : i32
      scf.if %cond3A_231 {
        %dma_wait3A_316 = arith.constant 0 : i32
        %dma_wait3A_317 = arith.constant 0 : i32
        %dma_wait3A_318 = tpu.memref_slice %arg8[%dma_wait3A_316, %dma_wait3A_317] : memref<2x128xi32, #tpu.memory_space<vmem>> -> memref<1x128xi32, #tpu.memory_space<vmem>>
        %dma_wait3A_319 = tpu.memref_squeeze %dma_wait3A_318 : memref<1x128xi32, #tpu.memory_space<vmem>> -> memref<128xi32, #tpu.memory_space<vmem>>
        %dma_wait3A_320 = arith.constant 0 : i32
        %dma_wait3A_321 = arith.constant 0 : i32
        %dma_wait3A_322 = tpu.memref_slice %arg2[%dma_wait3A_320, %dma_wait3A_321] : memref<10000x128xf32, #tpu.memory_space<hbm>> -> memref<10000x128xf32, #tpu.memory_space<hbm>>
        tpu.wait_indirect_dma semaphore(%arg21 : memref<!tpu.dma_semaphore, #tpu.memory_space<semaphore_mem>>) src(%dma_wait3A_322 : memref<10000x128xf32, #tpu.memory_space<hbm>>) dst(%arg11 : memref<128x128xf32, #tpu.memory_space<vmem>>)
        %run_scoped3A = arith.constant 1 : i32
        "tpu.region"() ({
          %run_scoped3A_323 = tpu.sem_alloc : memref<!tpu.dma_semaphore, #tpu.memory_space<semaphore_mem>>
          %dma_start3A_324 = arith.constant 0 : i32
          %dma_start3A_325 = tpu.memref_slice %arg8[%run_scoped3A, %dma_start3A_324] : memref<2x128xi32, #tpu.memory_space<vmem>> -> memref<1x128xi32, #tpu.memory_space<vmem>>
          %dma_start3A_326 = tpu.memref_squeeze %dma_start3A_325 : memref<1x128xi32, #tpu.memory_space<vmem>> -> memref<128xi32, #tpu.memory_space<vmem>>
          %dma_start3A_327 = arith.constant 0 : i32
          %dma_start3A_328 = arith.constant 0 : i32
          %dma_start3A_329 = tpu.memref_slice %arg14[%dma_start3A_327, %dma_start3A_328] : memref<10000x128xf32, #tpu.memory_space<vmem_shared>> -> memref<10000x128xf32, #tpu.memory_space<vmem_shared>>
          tpu.enqueue_indirect_dma source(%arg11 : memref<128x128xf32, #tpu.memory_space<vmem>>) target(%dma_start3A_329 : memref<10000x128xf32, #tpu.memory_space<vmem_shared>>) offsets(%dma_start3A_326 : memref<128xi32, #tpu.memory_space<vmem>>) semaphore(%run_scoped3A_323 : memref<!tpu.dma_semaphore, #tpu.memory_space<semaphore_mem>>) {add = true}
          %dma_wait3A_330 = arith.constant 0 : i32
          %dma_wait3A_331 = tpu.memref_slice %arg8[%run_scoped3A, %dma_wait3A_330] : memref<2x128xi32, #tpu.memory_space<vmem>> -> memref<1x128xi32, #tpu.memory_space<vmem>>
          %dma_wait3A_332 = tpu.memref_squeeze %dma_wait3A_331 : memref<1x128xi32, #tpu.memory_space<vmem>> -> memref<128xi32, #tpu.memory_space<vmem>>
          %dma_wait3A_333 = arith.constant 0 : i32
          %dma_wait3A_334 = arith.constant 0 : i32
          %dma_wait3A_335 = tpu.memref_slice %arg14[%dma_wait3A_333, %dma_wait3A_334] : memref<10000x128xf32, #tpu.memory_space<vmem_shared>> -> memref<10000x128xf32, #tpu.memory_space<vmem_shared>>
          tpu.wait_indirect_dma semaphore(%run_scoped3A_323 : memref<!tpu.dma_semaphore, #tpu.memory_space<semaphore_mem>>) src(%arg11 : memref<128x128xf32, #tpu.memory_space<vmem>>) dst(%dma_wait3A_335 : memref<10000x128xf32, #tpu.memory_space<vmem_shared>>)
          tpu.yield
        }) : () -> ()
      } else {
      }
      %add3A_232 = arith.constant 3 : i32
      %add3A_233 = arith.addi %add3A_223, %add3A_232 : i32
      %mul3A_234 = arith.constant 32 : i32
      %mul3A_235 = arith.muli %add3A_233, %mul3A_234 : i32
      %add3A_236 = arith.addi %add3A, %mul3A_235 : i32
      %lt3A_237 = arith.constant 2500 : i32
      %lt3A_238 = arith.cmpi slt, %add3A_236, %lt3A_237 : i32
      %convert_element_type3A_239 = arith.extui %lt3A_238 : i1 to i32
      %cond3A_240 = arith.constant 0 : i32
      %cond3A_241 = arith.cmpi ne, %convert_element_type3A_239, %cond3A_240 : i32
      scf.if %cond3A_241 {
        %add3A_316 = arith.constant 3 : i32
        %add3A_317 = arith.addi %add3A_223, %add3A_316 : i32
        %mul3A_318 = arith.constant 32 : i32
        %mul3A_319 = arith.muli %add3A_317, %mul3A_318 : i32
        %add3A_320 = arith.addi %add3A, %mul3A_319 : i32
        %mul3A_321 = arith.constant 128 : i32
        %mul3A_322 = arith.muli %add3A_320, %mul3A_321 : i32
        %dma_wait3A_323 = arith.constant 0 : i32
        %dma_wait3A_324 = tpu.memref_slice %arg3[%dma_wait3A_323, %mul3A_322] : memref<2x320000xi32, #tpu.memory_space<hbm>> -> memref<2x128xi32, #tpu.memory_space<hbm>>
        %dma_wait3A_325 = arith.constant 0 : i32
        %dma_wait3A_326 = tpu.memref_slice %arg3[%dma_wait3A_325, %mul3A_322] : memref<2x320000xi32, #tpu.memory_space<hbm>> -> memref<2x128xi32, #tpu.memory_space<hbm>>
        tpu.wait_dma2 semaphore(%arg15 : memref<!tpu.dma_semaphore, #tpu.memory_space<semaphore_mem>>) src(%dma_wait3A_326 : memref<2x128xi32, #tpu.memory_space<hbm>>) dst(%arg5 : memref<2x128xi32, #tpu.memory_space<vmem>>)
        %dma_start3A_327 = arith.constant 0 : i32
        %dma_start3A_328 = arith.constant 0 : i32
        %dma_start3A_329 = tpu.memref_slice %arg5[%dma_start3A_327, %dma_start3A_328] : memref<2x128xi32, #tpu.memory_space<vmem>> -> memref<1x128xi32, #tpu.memory_space<vmem>>
        %dma_start3A_330 = tpu.memref_squeeze %dma_start3A_329 : memref<1x128xi32, #tpu.memory_space<vmem>> -> memref<128xi32, #tpu.memory_space<vmem>>
        %dma_start3A_331 = arith.constant 0 : i32
        %dma_start3A_332 = arith.constant 0 : i32
        %dma_start3A_333 = tpu.memref_slice %arg2[%dma_start3A_331, %dma_start3A_332] : memref<10000x128xf32, #tpu.memory_space<hbm>> -> memref<10000x128xf32, #tpu.memory_space<hbm>>
        tpu.enqueue_indirect_dma source(%dma_start3A_333 : memref<10000x128xf32, #tpu.memory_space<hbm>>) target(%arg11 : memref<128x128xf32, #tpu.memory_space<vmem>>) offsets(%dma_start3A_330 : memref<128xi32, #tpu.memory_space<vmem>>) semaphore(%arg21 : memref<!tpu.dma_semaphore, #tpu.memory_space<semaphore_mem>>)
      } else {
      }
      %add3A_242 = arith.constant 6 : i32
      %add3A_243 = arith.addi %add3A_223, %add3A_242 : i32
      %mul3A_244 = arith.constant 32 : i32
      %mul3A_245 = arith.muli %add3A_243, %mul3A_244 : i32
      %add3A_246 = arith.addi %add3A, %mul3A_245 : i32
      %lt3A_247 = arith.constant 2500 : i32
      %lt3A_248 = arith.cmpi slt, %add3A_246, %lt3A_247 : i32
      %convert_element_type3A_249 = arith.extui %lt3A_248 : i1 to i32
      %cond3A_250 = arith.constant 0 : i32
      %cond3A_251 = arith.cmpi ne, %convert_element_type3A_249, %cond3A_250 : i32
      scf.if %cond3A_251 {
        %add3A_316 = arith.constant 6 : i32
        %add3A_317 = arith.addi %add3A_223, %add3A_316 : i32
        %mul3A_318 = arith.constant 32 : i32
        %mul3A_319 = arith.muli %add3A_317, %mul3A_318 : i32
        %add3A_320 = arith.addi %add3A, %mul3A_319 : i32
        %mul3A_321 = arith.constant 128 : i32
        %mul3A_322 = arith.muli %add3A_320, %mul3A_321 : i32
        %dma_start3A_323 = arith.constant 0 : i32
        %dma_start3A_324 = tpu.memref_slice %arg3[%dma_start3A_323, %mul3A_322] : memref<2x320000xi32, #tpu.memory_space<hbm>> -> memref<2x128xi32, #tpu.memory_space<hbm>>
        %dma_start3A_325 = arith.constant 0 : i32
        %dma_start3A_326 = tpu.memref_slice %arg3[%dma_start3A_325, %mul3A_322] : memref<2x320000xi32, #tpu.memory_space<hbm>> -> memref<2x128xi32, #tpu.memory_space<hbm>>
        tpu.enqueue_dma source(%dma_start3A_326 : memref<2x128xi32, #tpu.memory_space<hbm>>) target(%arg8 : memref<2x128xi32, #tpu.memory_space<vmem>>) target_semaphore(%arg18 : memref<!tpu.dma_semaphore, #tpu.memory_space<semaphore_mem>>)
      } else {
      }
      %mul3A_252 = arith.constant 6 : i32
      %mul3A_253 = arith.muli %mul3A_252, %add3A_126 : i32
      %add3A_254 = arith.constant 4 : i32
      %add3A_255 = arith.addi %mul3A_253, %add3A_254 : i32
      %mul3A_256 = arith.constant 32 : i32
      %mul3A_257 = arith.muli %add3A_255, %mul3A_256 : i32
      %add3A_258 = arith.addi %add3A, %mul3A_257 : i32
      %lt3A_259 = arith.constant 2500 : i32
      %lt3A_260 = arith.cmpi slt, %add3A_258, %lt3A_259 : i32
      %convert_element_type3A_261 = arith.extui %lt3A_260 : i1 to i32
      %cond3A_262 = arith.constant 0 : i32
      %cond3A_263 = arith.cmpi ne, %convert_element_type3A_261, %cond3A_262 : i32
      scf.if %cond3A_263 {
        %dma_wait3A_316 = arith.constant 0 : i32
        %dma_wait3A_317 = arith.constant 0 : i32
        %dma_wait3A_318 = tpu.memref_slice %arg9[%dma_wait3A_316, %dma_wait3A_317] : memref<2x128xi32, #tpu.memory_space<vmem>> -> memref<1x128xi32, #tpu.memory_space<vmem>>
        %dma_wait3A_319 = tpu.memref_squeeze %dma_wait3A_318 : memref<1x128xi32, #tpu.memory_space<vmem>> -> memref<128xi32, #tpu.memory_space<vmem>>
        %dma_wait3A_320 = arith.constant 0 : i32
        %dma_wait3A_321 = arith.constant 0 : i32
        %dma_wait3A_322 = tpu.memref_slice %arg2[%dma_wait3A_320, %dma_wait3A_321] : memref<10000x128xf32, #tpu.memory_space<hbm>> -> memref<10000x128xf32, #tpu.memory_space<hbm>>
        tpu.wait_indirect_dma semaphore(%arg22 : memref<!tpu.dma_semaphore, #tpu.memory_space<semaphore_mem>>) src(%dma_wait3A_322 : memref<10000x128xf32, #tpu.memory_space<hbm>>) dst(%arg12 : memref<128x128xf32, #tpu.memory_space<vmem>>)
        %run_scoped3A = arith.constant 1 : i32
        "tpu.region"() ({
          %run_scoped3A_323 = tpu.sem_alloc : memref<!tpu.dma_semaphore, #tpu.memory_space<semaphore_mem>>
          %dma_start3A_324 = arith.constant 0 : i32
          %dma_start3A_325 = tpu.memref_slice %arg9[%run_scoped3A, %dma_start3A_324] : memref<2x128xi32, #tpu.memory_space<vmem>> -> memref<1x128xi32, #tpu.memory_space<vmem>>
          %dma_start3A_326 = tpu.memref_squeeze %dma_start3A_325 : memref<1x128xi32, #tpu.memory_space<vmem>> -> memref<128xi32, #tpu.memory_space<vmem>>
          %dma_start3A_327 = arith.constant 0 : i32
          %dma_start3A_328 = arith.constant 0 : i32
          %dma_start3A_329 = tpu.memref_slice %arg14[%dma_start3A_327, %dma_start3A_328] : memref<10000x128xf32, #tpu.memory_space<vmem_shared>> -> memref<10000x128xf32, #tpu.memory_space<vmem_shared>>
          tpu.enqueue_indirect_dma source(%arg12 : memref<128x128xf32, #tpu.memory_space<vmem>>) target(%dma_start3A_329 : memref<10000x128xf32, #tpu.memory_space<vmem_shared>>) offsets(%dma_start3A_326 : memref<128xi32, #tpu.memory_space<vmem>>) semaphore(%run_scoped3A_323 : memref<!tpu.dma_semaphore, #tpu.memory_space<semaphore_mem>>) {add = true}
          %dma_wait3A_330 = arith.constant 0 : i32
          %dma_wait3A_331 = tpu.memref_slice %arg9[%run_scoped3A, %dma_wait3A_330] : memref<2x128xi32, #tpu.memory_space<vmem>> -> memref<1x128xi32, #tpu.memory_space<vmem>>
          %dma_wait3A_332 = tpu.memref_squeeze %dma_wait3A_331 : memref<1x128xi32, #tpu.memory_space<vmem>> -> memref<128xi32, #tpu.memory_space<vmem>>
          %dma_wait3A_333 = arith.constant 0 : i32
          %dma_wait3A_334 = arith.constant 0 : i32
          %dma_wait3A_335 = tpu.memref_slice %arg14[%dma_wait3A_333, %dma_wait3A_334] : memref<10000x128xf32, #tpu.memory_space<vmem_shared>> -> memref<10000x128xf32, #tpu.memory_space<vmem_shared>>
          tpu.wait_indirect_dma semaphore(%run_scoped3A_323 : memref<!tpu.dma_semaphore, #tpu.memory_space<semaphore_mem>>) src(%arg12 : memref<128x128xf32, #tpu.memory_space<vmem>>) dst(%dma_wait3A_335 : memref<10000x128xf32, #tpu.memory_space<vmem_shared>>)
          tpu.yield
        }) : () -> ()
      } else {
      }
      %add3A_264 = arith.constant 3 : i32
      %add3A_265 = arith.addi %add3A_255, %add3A_264 : i32
      %mul3A_266 = arith.constant 32 : i32
      %mul3A_267 = arith.muli %add3A_265, %mul3A_266 : i32
      %add3A_268 = arith.addi %add3A, %mul3A_267 : i32
      %lt3A_269 = arith.constant 2500 : i32
      %lt3A_270 = arith.cmpi slt, %add3A_268, %lt3A_269 : i32
      %convert_element_type3A_271 = arith.extui %lt3A_270 : i1 to i32
      %cond3A_272 = arith.constant 0 : i32
      %cond3A_273 = arith.cmpi ne, %convert_element_type3A_271, %cond3A_272 : i32
      scf.if %cond3A_273 {
        %add3A_316 = arith.constant 3 : i32
        %add3A_317 = arith.addi %add3A_255, %add3A_316 : i32
        %mul3A_318 = arith.constant 32 : i32
        %mul3A_319 = arith.muli %add3A_317, %mul3A_318 : i32
        %add3A_320 = arith.addi %add3A, %mul3A_319 : i32
        %mul3A_321 = arith.constant 128 : i32
        %mul3A_322 = arith.muli %add3A_320, %mul3A_321 : i32
        %dma_wait3A_323 = arith.constant 0 : i32
        %dma_wait3A_324 = tpu.memref_slice %arg3[%dma_wait3A_323, %mul3A_322] : memref<2x320000xi32, #tpu.memory_space<hbm>> -> memref<2x128xi32, #tpu.memory_space<hbm>>
        %dma_wait3A_325 = arith.constant 0 : i32
        %dma_wait3A_326 = tpu.memref_slice %arg3[%dma_wait3A_325, %mul3A_322] : memref<2x320000xi32, #tpu.memory_space<hbm>> -> memref<2x128xi32, #tpu.memory_space<hbm>>
        tpu.wait_dma2 semaphore(%arg16 : memref<!tpu.dma_semaphore, #tpu.memory_space<semaphore_mem>>) src(%dma_wait3A_326 : memref<2x128xi32, #tpu.memory_space<hbm>>) dst(%arg6 : memref<2x128xi32, #tpu.memory_space<vmem>>)
        %dma_start3A_327 = arith.constant 0 : i32
        %dma_start3A_328 = arith.constant 0 : i32
        %dma_start3A_329 = tpu.memref_slice %arg6[%dma_start3A_327, %dma_start3A_328] : memref<2x128xi32, #tpu.memory_space<vmem>> -> memref<1x128xi32, #tpu.memory_space<vmem>>
        %dma_start3A_330 = tpu.memref_squeeze %dma_start3A_329 : memref<1x128xi32, #tpu.memory_space<vmem>> -> memref<128xi32, #tpu.memory_space<vmem>>
        %dma_start3A_331 = arith.constant 0 : i32
        %dma_start3A_332 = arith.constant 0 : i32
        %dma_start3A_333 = tpu.memref_slice %arg2[%dma_start3A_331, %dma_start3A_332] : memref<10000x128xf32, #tpu.memory_space<hbm>> -> memref<10000x128xf32, #tpu.memory_space<hbm>>
        tpu.enqueue_indirect_dma source(%dma_start3A_333 : memref<10000x128xf32, #tpu.memory_space<hbm>>) target(%arg12 : memref<128x128xf32, #tpu.memory_space<vmem>>) offsets(%dma_start3A_330 : memref<128xi32, #tpu.memory_space<vmem>>) semaphore(%arg22 : memref<!tpu.dma_semaphore, #tpu.memory_space<semaphore_mem>>)
      } else {
      }
      %add3A_274 = arith.constant 6 : i32
      %add3A_275 = arith.addi %add3A_255, %add3A_274 : i32
      %mul3A_276 = arith.constant 32 : i32
      %mul3A_277 = arith.muli %add3A_275, %mul3A_276 : i32
      %add3A_278 = arith.addi %add3A, %mul3A_277 : i32
      %lt3A_279 = arith.constant 2500 : i32
      %lt3A_280 = arith.cmpi slt, %add3A_278, %lt3A_279 : i32
      %convert_element_type3A_281 = arith.extui %lt3A_280 : i1 to i32
      %cond3A_282 = arith.constant 0 : i32
      %cond3A_283 = arith.cmpi ne, %convert_element_type3A_281, %cond3A_282 : i32
      scf.if %cond3A_283 {
        %add3A_316 = arith.constant 6 : i32
        %add3A_317 = arith.addi %add3A_255, %add3A_316 : i32
        %mul3A_318 = arith.constant 32 : i32
        %mul3A_319 = arith.muli %add3A_317, %mul3A_318 : i32
        %add3A_320 = arith.addi %add3A, %mul3A_319 : i32
        %mul3A_321 = arith.constant 128 : i32
        %mul3A_322 = arith.muli %add3A_320, %mul3A_321 : i32
        %dma_start3A_323 = arith.constant 0 : i32
        %dma_start3A_324 = tpu.memref_slice %arg3[%dma_start3A_323, %mul3A_322] : memref<2x320000xi32, #tpu.memory_space<hbm>> -> memref<2x128xi32, #tpu.memory_space<hbm>>
        %dma_start3A_325 = arith.constant 0 : i32
        %dma_start3A_326 = tpu.memref_slice %arg3[%dma_start3A_325, %mul3A_322] : memref<2x320000xi32, #tpu.memory_space<hbm>> -> memref<2x128xi32, #tpu.memory_space<hbm>>
        tpu.enqueue_dma source(%dma_start3A_326 : memref<2x128xi32, #tpu.memory_space<hbm>>) target(%arg9 : memref<2x128xi32, #tpu.memory_space<vmem>>) target_semaphore(%arg19 : memref<!tpu.dma_semaphore, #tpu.memory_space<semaphore_mem>>)
      } else {
      }
      %mul3A_284 = arith.constant 6 : i32
      %mul3A_285 = arith.muli %mul3A_284, %add3A_126 : i32
      %add3A_286 = arith.constant 5 : i32
      %add3A_287 = arith.addi %mul3A_285, %add3A_286 : i32
      %mul3A_288 = arith.constant 32 : i32
      %mul3A_289 = arith.muli %add3A_287, %mul3A_288 : i32
      %add3A_290 = arith.addi %add3A, %mul3A_289 : i32
      %lt3A_291 = arith.constant 2500 : i32
      %lt3A_292 = arith.cmpi slt, %add3A_290, %lt3A_291 : i32
      %convert_element_type3A_293 = arith.extui %lt3A_292 : i1 to i32
      %cond3A_294 = arith.constant 0 : i32
      %cond3A_295 = arith.cmpi ne, %convert_element_type3A_293, %cond3A_294 : i32
      scf.if %cond3A_295 {
        %dma_wait3A_316 = arith.constant 0 : i32
        %dma_wait3A_317 = arith.constant 0 : i32
        %dma_wait3A_318 = tpu.memref_slice %arg10[%dma_wait3A_316, %dma_wait3A_317] : memref<2x128xi32, #tpu.memory_space<vmem>> -> memref<1x128xi32, #tpu.memory_space<vmem>>
        %dma_wait3A_319 = tpu.memref_squeeze %dma_wait3A_318 : memref<1x128xi32, #tpu.memory_space<vmem>> -> memref<128xi32, #tpu.memory_space<vmem>>
        %dma_wait3A_320 = arith.constant 0 : i32
        %dma_wait3A_321 = arith.constant 0 : i32
        %dma_wait3A_322 = tpu.memref_slice %arg2[%dma_wait3A_320, %dma_wait3A_321] : memref<10000x128xf32, #tpu.memory_space<hbm>> -> memref<10000x128xf32, #tpu.memory_space<hbm>>
        tpu.wait_indirect_dma semaphore(%arg23 : memref<!tpu.dma_semaphore, #tpu.memory_space<semaphore_mem>>) src(%dma_wait3A_322 : memref<10000x128xf32, #tpu.memory_space<hbm>>) dst(%arg13 : memref<128x128xf32, #tpu.memory_space<vmem>>)
        %run_scoped3A = arith.constant 1 : i32
        "tpu.region"() ({
          %run_scoped3A_323 = tpu.sem_alloc : memref<!tpu.dma_semaphore, #tpu.memory_space<semaphore_mem>>
          %dma_start3A_324 = arith.constant 0 : i32
          %dma_start3A_325 = tpu.memref_slice %arg10[%run_scoped3A, %dma_start3A_324] : memref<2x128xi32, #tpu.memory_space<vmem>> -> memref<1x128xi32, #tpu.memory_space<vmem>>
          %dma_start3A_326 = tpu.memref_squeeze %dma_start3A_325 : memref<1x128xi32, #tpu.memory_space<vmem>> -> memref<128xi32, #tpu.memory_space<vmem>>
          %dma_start3A_327 = arith.constant 0 : i32
          %dma_start3A_328 = arith.constant 0 : i32
          %dma_start3A_329 = tpu.memref_slice %arg14[%dma_start3A_327, %dma_start3A_328] : memref<10000x128xf32, #tpu.memory_space<vmem_shared>> -> memref<10000x128xf32, #tpu.memory_space<vmem_shared>>
          tpu.enqueue_indirect_dma source(%arg13 : memref<128x128xf32, #tpu.memory_space<vmem>>) target(%dma_start3A_329 : memref<10000x128xf32, #tpu.memory_space<vmem_shared>>) offsets(%dma_start3A_326 : memref<128xi32, #tpu.memory_space<vmem>>) semaphore(%run_scoped3A_323 : memref<!tpu.dma_semaphore, #tpu.memory_space<semaphore_mem>>) {add = true}
          %dma_wait3A_330 = arith.constant 0 : i32
          %dma_wait3A_331 = tpu.memref_slice %arg10[%run_scoped3A, %dma_wait3A_330] : memref<2x128xi32, #tpu.memory_space<vmem>> -> memref<1x128xi32, #tpu.memory_space<vmem>>
          %dma_wait3A_332 = tpu.memref_squeeze %dma_wait3A_331 : memref<1x128xi32, #tpu.memory_space<vmem>> -> memref<128xi32, #tpu.memory_space<vmem>>
          %dma_wait3A_333 = arith.constant 0 : i32
          %dma_wait3A_334 = arith.constant 0 : i32
          %dma_wait3A_335 = tpu.memref_slice %arg14[%dma_wait3A_333, %dma_wait3A_334] : memref<10000x128xf32, #tpu.memory_space<vmem_shared>> -> memref<10000x128xf32, #tpu.memory_space<vmem_shared>>
          tpu.wait_indirect_dma semaphore(%run_scoped3A_323 : memref<!tpu.dma_semaphore, #tpu.memory_space<semaphore_mem>>) src(%arg13 : memref<128x128xf32, #tpu.memory_space<vmem>>) dst(%dma_wait3A_335 : memref<10000x128xf32, #tpu.memory_space<vmem_shared>>)
          tpu.yield
        }) : () -> ()
      } else {
      }
      %add3A_296 = arith.constant 3 : i32
      %add3A_297 = arith.addi %add3A_287, %add3A_296 : i32
      %mul3A_298 = arith.constant 32 : i32
      %mul3A_299 = arith.muli %add3A_297, %mul3A_298 : i32
      %add3A_300 = arith.addi %add3A, %mul3A_299 : i32
      %lt3A_301 = arith.constant 2500 : i32
      %lt3A_302 = arith.cmpi slt, %add3A_300, %lt3A_301 : i32
      %convert_element_type3A_303 = arith.extui %lt3A_302 : i1 to i32
      %cond3A_304 = arith.constant 0 : i32
      %cond3A_305 = arith.cmpi ne, %convert_element_type3A_303, %cond3A_304 : i32
      scf.if %cond3A_305 {
        %add3A_316 = arith.constant 3 : i32
        %add3A_317 = arith.addi %add3A_287, %add3A_316 : i32
        %mul3A_318 = arith.constant 32 : i32
        %mul3A_319 = arith.muli %add3A_317, %mul3A_318 : i32
        %add3A_320 = arith.addi %add3A, %mul3A_319 : i32
        %mul3A_321 = arith.constant 128 : i32
        %mul3A_322 = arith.muli %add3A_320, %mul3A_321 : i32
        %dma_wait3A_323 = arith.constant 0 : i32
        %dma_wait3A_324 = tpu.memref_slice %arg3[%dma_wait3A_323, %mul3A_322] : memref<2x320000xi32, #tpu.memory_space<hbm>> -> memref<2x128xi32, #tpu.memory_space<hbm>>
        %dma_wait3A_325 = arith.constant 0 : i32
        %dma_wait3A_326 = tpu.memref_slice %arg3[%dma_wait3A_325, %mul3A_322] : memref<2x320000xi32, #tpu.memory_space<hbm>> -> memref<2x128xi32, #tpu.memory_space<hbm>>
        tpu.wait_dma2 semaphore(%arg17 : memref<!tpu.dma_semaphore, #tpu.memory_space<semaphore_mem>>) src(%dma_wait3A_326 : memref<2x128xi32, #tpu.memory_space<hbm>>) dst(%arg7 : memref<2x128xi32, #tpu.memory_space<vmem>>)
        %dma_start3A_327 = arith.constant 0 : i32
        %dma_start3A_328 = arith.constant 0 : i32
        %dma_start3A_329 = tpu.memref_slice %arg7[%dma_start3A_327, %dma_start3A_328] : memref<2x128xi32, #tpu.memory_space<vmem>> -> memref<1x128xi32, #tpu.memory_space<vmem>>
        %dma_start3A_330 = tpu.memref_squeeze %dma_start3A_329 : memref<1x128xi32, #tpu.memory_space<vmem>> -> memref<128xi32, #tpu.memory_space<vmem>>
        %dma_start3A_331 = arith.constant 0 : i32
        %dma_start3A_332 = arith.constant 0 : i32
        %dma_start3A_333 = tpu.memref_slice %arg2[%dma_start3A_331, %dma_start3A_332] : memref<10000x128xf32, #tpu.memory_space<hbm>> -> memref<10000x128xf32, #tpu.memory_space<hbm>>
        tpu.enqueue_indirect_dma source(%dma_start3A_333 : memref<10000x128xf32, #tpu.memory_space<hbm>>) target(%arg13 : memref<128x128xf32, #tpu.memory_space<vmem>>) offsets(%dma_start3A_330 : memref<128xi32, #tpu.memory_space<vmem>>) semaphore(%arg23 : memref<!tpu.dma_semaphore, #tpu.memory_space<semaphore_mem>>)
      } else {
      }
      %add3A_306 = arith.constant 6 : i32
      %add3A_307 = arith.addi %add3A_287, %add3A_306 : i32
      %mul3A_308 = arith.constant 32 : i32
      %mul3A_309 = arith.muli %add3A_307, %mul3A_308 : i32
      %add3A_310 = arith.addi %add3A, %mul3A_309 : i32
      %lt3A_311 = arith.constant 2500 : i32
      %lt3A_312 = arith.cmpi slt, %add3A_310, %lt3A_311 : i32
      %convert_element_type3A_313 = arith.extui %lt3A_312 : i1 to i32
      %cond3A_314 = arith.constant 0 : i32
      %cond3A_315 = arith.cmpi ne, %convert_element_type3A_313, %cond3A_314 : i32
      scf.if %cond3A_315 {
        %add3A_316 = arith.constant 6 : i32
        %add3A_317 = arith.addi %add3A_287, %add3A_316 : i32
        %mul3A_318 = arith.constant 32 : i32
        %mul3A_319 = arith.muli %add3A_317, %mul3A_318 : i32
        %add3A_320 = arith.addi %add3A, %mul3A_319 : i32
        %mul3A_321 = arith.constant 128 : i32
        %mul3A_322 = arith.muli %add3A_320, %mul3A_321 : i32
        %dma_start3A_323 = arith.constant 0 : i32
        %dma_start3A_324 = tpu.memref_slice %arg3[%dma_start3A_323, %mul3A_322] : memref<2x320000xi32, #tpu.memory_space<hbm>> -> memref<2x128xi32, #tpu.memory_space<hbm>>
        %dma_start3A_325 = arith.constant 0 : i32
        %dma_start3A_326 = tpu.memref_slice %arg3[%dma_start3A_325, %mul3A_322] : memref<2x320000xi32, #tpu.memory_space<hbm>> -> memref<2x128xi32, #tpu.memory_space<hbm>>
        tpu.enqueue_dma source(%dma_start3A_326 : memref<2x128xi32, #tpu.memory_space<hbm>>) target(%arg10 : memref<2x128xi32, #tpu.memory_space<vmem>>) target_semaphore(%arg20 : memref<!tpu.dma_semaphore, #tpu.memory_space<semaphore_mem>>)
      } else {
      }
    }
    %scan3A_110 = arith.constant 14 : i32
    %barrier3A_111 = arith.constant 0 : index
    tpu.barrier barrier_id(%barrier3A_111)
    %scan3A_112 = arith.constant 0 : i32
    %scan3A_113 = arith.constant 8 : i32
    %scan3A_114 = arith.addi %scan3A_112, %scan3A_113 : i32
    %scan3A_115 = arith.constant 1 : i32
    scf.for %scan3A_122 = %scan3A_112 to %scan3A_114 step %scan3A_115  : i32 {
      %mul3A_123 = arith.constant 1 : i32
      %mul3A_124 = arith.muli %scan3A_122, %mul3A_123 : i32
      %add3A_125 = arith.constant 0 : i32
      %add3A_126 = arith.addi %add3A_125, %mul3A_124 : i32
      %mul3A_127 = arith.constant 16 : i32
      %mul3A_128 = arith.muli %add3A_126, %mul3A_127 : i32
      %add3A_129 = arith.addi %arg1, %mul3A_128 : i32
      %lt3A = arith.constant 125 : i32
      %lt3A_130 = arith.cmpi slt, %add3A_129, %lt3A : i32
      %convert_element_type3A = arith.extui %lt3A_130 : i1 to i32
      %cond3A = arith.constant 0 : i32
      %cond3A_131 = arith.cmpi ne, %convert_element_type3A, %cond3A : i32
      scf.if %cond3A_131 {
        %mul3A_132 = arith.constant 80 : i32
        %mul3A_133 = arith.muli %add3A_129, %mul3A_132 : i32
        %dma_start3A_134 = arith.constant 0 : i32
        %dma_start3A_135 = tpu.memref_slice %arg4[%arg0, %mul3A_133, %dma_start3A_134] : memref<2x10000x128xf32, #tpu.memory_space<hbm>> -> memref<1x80x128xf32, #tpu.memory_space<hbm>>
        %dma_start3A_136 = tpu.memref_squeeze %dma_start3A_135 : memref<1x80x128xf32, #tpu.memory_space<hbm>> -> memref<80x128xf32, #tpu.memory_space<hbm>>
        %dma_start3A_137 = arith.constant 0 : i32
        %dma_start3A_138 = tpu.memref_slice %arg14[%mul3A_133, %dma_start3A_137] : memref<10000x128xf32, #tpu.memory_space<vmem_shared>> -> memref<80x128xf32, #tpu.memory_space<vmem_shared>>
        tpu.enqueue_dma source(%dma_start3A_138 : memref<80x128xf32, #tpu.memory_space<vmem_shared>>) target(%dma_start3A_136 : memref<80x128xf32, #tpu.memory_space<hbm>>) target_semaphore(%arg21 : memref<!tpu.dma_semaphore, #tpu.memory_space<semaphore_mem>>)
      } else {
      }
    }
    %scan3A_116 = arith.constant 8 : i32
    %scan3A_117 = arith.constant 0 : i32
    %scan3A_118 = arith.constant 8 : i32
    %scan3A_119 = arith.addi %scan3A_117, %scan3A_118 : i32
    %scan3A_120 = arith.constant 1 : i32
    scf.for %scan3A_122 = %scan3A_117 to %scan3A_119 step %scan3A_120  : i32 {
      %mul3A_123 = arith.constant 1 : i32
      %mul3A_124 = arith.muli %scan3A_122, %mul3A_123 : i32
      %add3A_125 = arith.constant 0 : i32
      %add3A_126 = arith.addi %add3A_125, %mul3A_124 : i32
      %mul3A_127 = arith.constant 16 : i32
      %mul3A_128 = arith.muli %add3A_126, %mul3A_127 : i32
      %add3A_129 = arith.addi %arg1, %mul3A_128 : i32
      %lt3A = arith.constant 125 : i32
      %lt3A_130 = arith.cmpi slt, %add3A_129, %lt3A : i32
      %convert_element_type3A = arith.extui %lt3A_130 : i1 to i32
      %cond3A = arith.constant 0 : i32
      %cond3A_131 = arith.cmpi ne, %convert_element_type3A, %cond3A : i32
      scf.if %cond3A_131 {
        %mul3A_132 = arith.constant 80 : i32
        %mul3A_133 = arith.muli %add3A_129, %mul3A_132 : i32
        %dma_wait3A_134 = arith.constant 0 : i32
        %dma_wait3A_135 = tpu.memref_slice %arg4[%arg0, %mul3A_133, %dma_wait3A_134] : memref<2x10000x128xf32, #tpu.memory_space<hbm>> -> memref<1x80x128xf32, #tpu.memory_space<hbm>>
        %dma_wait3A_136 = tpu.memref_squeeze %dma_wait3A_135 : memref<1x80x128xf32, #tpu.memory_space<hbm>> -> memref<80x128xf32, #tpu.memory_space<hbm>>
        %dma_wait3A_137 = arith.constant 0 : i32
        %dma_wait3A_138 = tpu.memref_slice %arg14[%mul3A_133, %dma_wait3A_137] : memref<10000x128xf32, #tpu.memory_space<vmem_shared>> -> memref<80x128xf32, #tpu.memory_space<vmem_shared>>
        tpu.wait_dma2 semaphore(%arg21 : memref<!tpu.dma_semaphore, #tpu.memory_space<semaphore_mem>>) src(%dma_wait3A_138 : memref<80x128xf32, #tpu.memory_space<vmem_shared>>) dst(%dma_wait3A_136 : memref<80x128xf32, #tpu.memory_space<hbm>>)
      } else {
      }
    }
    %scan3A_121 = arith.constant 8 : i32
    return
  }
}

module attributes {stable_mosaic.version = 14 : i64} {
  func.func @body(%arg0: memref<1xf32, #tpu.memory_space<smem>>, %arg1: memref<2x10000x128xf32, #tpu.memory_space<vmem>>, %arg2: memref<10000x128xf32, #tpu.memory_space<vmem>>) attributes {dimension_semantics = [], scalar_prefetch = 0 : i64, scratch_operands = 0 : i64, tpu.core_type = #tpu.core_type<tc>} {
    %get3A = arith.constant 0 : index
    %get3A_0 = arith.constant 0 : index
    %get3A_1 = arith.constant 0 : index
    %get3A_2 = vector.load %arg1[%get3A, %get3A_0, %get3A_1] : memref<2x10000x128xf32, #tpu.memory_space<vmem>>, vector<1x10000x128xf32>
    %get3A_3 = vector.shape_cast %get3A_2 : vector<1x10000x128xf32> to vector<10000x128xf32>
    %get3A_4 = arith.constant 1 : index
    %get3A_5 = arith.constant 0 : index
    %get3A_6 = arith.constant 0 : index
    %get3A_7 = vector.load %arg1[%get3A_4, %get3A_5, %get3A_6] : memref<2x10000x128xf32, #tpu.memory_space<vmem>>, vector<1x10000x128xf32>
    %get3A_8 = vector.shape_cast %get3A_7 : vector<1x10000x128xf32> to vector<10000x128xf32>
    %add3A = arith.addf %get3A_3, %get3A_8 : vector<10000x128xf32>
    %get3A_9 = arith.constant 0 : index
    %get3A_10 = memref.load %arg0[%get3A_9] : memref<1xf32, #tpu.memory_space<smem>>
    %mul3A = vector.broadcast %get3A_10 : f32 to vector<10000x128xf32>
    %mul3A_11 = arith.mulf %add3A, %mul3A : vector<10000x128xf32>
    %swap3A = arith.constant 0 : index
    %swap3A_12 = arith.constant 0 : index
    %swap3A_13 = vector.load %arg2[%swap3A, %swap3A_12] : memref<10000x128xf32, #tpu.memory_space<vmem>>, vector<10000x128xf32>
    tpu.vector_store %arg2[%swap3A, %swap3A_12], %mul3A_11 {strides = array<i32>} : memref<10000x128xf32, #tpu.memory_space<vmem>>, vector<10000x128xf32>,
    return
  }
}

</mosaic_0001>

<sc_bundles>
// kernel: kernel.4.cloned.1.call-start
scs
__scs_entry_jumppad:
0x0: {  	(pc) =	sbr.rel $0x88, $3  }
0x1: {  	(tag) =	ssettag $0x0;
	lr =	simm.s32 $0x1  }
0x2: {  	[smem:$0x3F9E] =	sst lr;
	_ =	strace $0xD0000000  }
0x3: {  	_ = 	snop  }
0x4: {  	_ = 	snop  }
0x5: {  	_ = 	snop  }
0x6: {  	_ = 	snop  }
0x7: {  	_ = 	snop  }
__scs_overlays_trampoline_lowered:
0x8: {  	[smem:$0x3FAD] =	sst s0  }
0x9: {  	[smem:$0x3FAE] =	sst s1  }
0xa: {  	[smem:$0x3FAF] =	sst s2  }
0xb: {  	[smem:$0x3FB0] =	sst s3  }
0xc: {  	[smem:$0x3FB1] =	sst s4  }
0xd: {  	[smem:$0x3FB2] =	sst s5  }
0xe: {  	[smem:$0x3FB3] =	sst s6  }
0xf: {  	[smem:$0x3FB4] =	sst s7  }
0x10: {  	[smem:$0x3FB5] =	sst s8  }
0x11: {  	[smem:$0x3FB6] =	sst s9;
	s0 =	simm.s32 @!p0 $0x0  }
0x12: {  	s1 =	sld [smem:$0x3F9C];
	s0 =	simm.s32 @p0 $0x1  }
0x13: {  	[smem:$0x3FB7] =	sst s0;
	s0 =	simm.s32 @!p1 $0x0  }
0x14: {  	s2 =	sld [smem:$0x3F9B];
	s0 =	simm.s32 @p1 $0x1  }
0x15: {  	[smem:$0x3FB8] =	sst s0;
	s0 =	simm.s32 @!p2 $0x0  }
0x16: {  	s3 =	sld [smem:$0x3FDB];
	s0 =	simm.s32 @p2 $0x1  }
0x17: {  	s4 =	simm.s32 $0x1BF5;
	[smem:$0x3FBA] =	sst s0  }
0x18: {  	s0 =	sld [smem:$0x3F9D];
	_ =	swait.ge [sflag:s4], $0x0  }
0x19: {  	s7 =	sld [smem:$0x3F9E]  }
0x1a: {  	s8 =	sadd.s32 $0xFFFFE003, lr  }
0x1b: {  	s9 =	sadd.s32 $0xFFFFFEF7, lr;
	s5 =	simm.s32 $0xFFFFFFFF;
	p2 =	slt.u32 s8, $0xFFFFF086  }
0x1c: {  	p1 =	slt.u32 s9, $0xF7A;
	s5 =	simm.s32 @!p2 $0x0  }
0x1d: {  	s5 =	simm.s32 @p1 $0x1;
	p0 =	seq.s32 s7, s2  }
0x1e: {  	s7 =	smul.u32 @!p0 $0xF7A, s2;
	p2 =	seq.s32 @!p0 s5, $0x0  }
0x1f: {  	s9 =	smul.u32 $0xF7A, s1;
	s8 =	simm.s32 @!p0 $0x1BF5;
	p2 =	por !p2, p0  }
0x20: {  	[sflag:s8] =	ssyncset.s32 @!p0 $0xFFFFF086;
	s6 =	sadd.s32 @!p0 s3, s7;
	s7 =	simm.s32 @!p0 $0x108  }
0x21: {  	s3 =	sadd.s32 s3, s9;
	s6 =	sadd.s32 @!p0 $0x88, s6;
	s7 =	simm.s32 @p2 $0x1082  }
0x22: {  	[simem:s7], [sflag:s8] =	dma.local @!p0 [hbm:s6], $0xF7A  }
0x23: {  	s9 =	sor.u32 $0xD0000000, s2;
	s6 =	simm.s32 $0x108;
	_ =	swait.ge @!p0 [sflag:s8], $0x0  }
0x24: {  	s3 =	sadd.s32 $0x88, s3;
	s6 =	simm.s32 @!p1 $0x1082;
	[sflag:s4] =	ssyncset.s32 $0xFFFFF086  }
0x25: {  	[simem:s6], [sflag:s4] =	dma.local [hbm:s3], $0xF7A  }
0x26: {  	[smem:$0x3F9E] =	sst s1;
	(tag) =	ssettag s2;
	_ =	strace s9  }
0x27: {  	s1 =	sld [smem:$0x3FAE]  }
0x28: {  	s2 =	sld [smem:$0x3FAF]  }
0x29: {  	s4 =	sld [smem:$0x3FB1]  }
0x2a: {  	p0 =	seq.s32 s5, $0x0;
	s5 =	sld [smem:$0x3FB2]  }
0x2b: {  	s6 =	sld [smem:$0x3FB3]  }
0x2c: {  	s7 =	sld [smem:$0x3FB4]  }
0x2d: {  	s3 =	simm.s32 $0x108;
	s8 =	sld [smem:$0x3FB5]  }
0x2e: {  	s3 =	simm.s32 @!p0 $0x1082;
	s9 =	sld [smem:$0x3FB6]  }
0x2f: {  	lr =	sadd.s32 s0, s3;
	s0 =	sld [smem:$0x3FAD]  }
0x30: {  	s3 =	sld [smem:$0x3FB0]  }
0x31: {  	[smem:$0x3FB9] =	sst s10  }
0x32: {  	s10 =	sld [smem:$0x3FB7];
	_ =	sdelay $0x3  }
0x33: {  	p0 =	seq.s32 s10, $0x1;
	s10 =	sld [smem:$0x3FB9];
	_ =	sdelay $0x3  }
0x34: {  	[smem:$0x3FB9] =	sst s10  }
0x35: {  	s10 =	sld [smem:$0x3FB8];
	_ =	sdelay $0x3  }
0x36: {  	p1 =	seq.s32 s10, $0x1;
	s10 =	sld [smem:$0x3FB9];
	_ =	sdelay $0x3  }
0x37: {  	[smem:$0x3FB9] =	sst s10  }
0x38: {  	s10 =	sld [smem:$0x3FBA]  }
0x39: {  	_ = 	snop;
	(pc) =	sbr.ind lr, $3  }
0x3a: {  	_ = 	snop  }
0x3b: {  	_ = 	snop  }
0x3c: {  	p2 =	seq.s32 s10, $0x1;
	s10 =	sld [smem:$0x3FB9]  }
0x3d: {  	_ =	shalt  }
0x3e: {  	_ =	shalt  }
0x3f: {  	_ =	shalt  }
0x40: {  	_ =	shalt  }
0x41: {  	_ =	shalt  }
0x42: {  	_ =	shalt  }
0x43: {  	_ =	shalt  }
0x44: {  	_ =	shalt  }
0x45: {  	_ =	shalt  }
0x46: {  	_ =	shalt  }
0x47: {  	_ =	shalt  }
0x48: {  	_ =	shalt  }
0x49: {  	_ =	shalt  }
0x4a: {  	_ =	shalt  }
0x4b: {  	_ =	shalt  }
0x4c: {  	_ =	shalt  }
0x4d: {  	_ =	shalt  }
0x4e: {  	_ =	shalt  }
0x4f: {  	_ =	shalt  }
0x50: {  	_ =	shalt  }
0x51: {  	_ =	shalt  }
0x52: {  	_ =	shalt  }
0x53: {  	_ =	shalt  }
0x54: {  	_ =	shalt  }
0x55: {  	_ =	shalt  }
0x56: {  	_ =	shalt  }
0x57: {  	_ =	shalt  }
0x58: {  	_ =	shalt  }
0x59: {  	_ =	shalt  }
0x5a: {  	_ =	shalt  }
0x5b: {  	_ =	shalt  }
0x5c: {  	_ =	shalt  }
0x5d: {  	_ =	shalt  }
0x5e: {  	_ =	shalt  }
0x5f: {  	_ =	shalt  }
0x60: {  	_ =	shalt  }
0x61: {  	_ =	shalt  }
0x62: {  	_ =	shalt  }
0x63: {  	_ =	shalt  }
0x64: {  	_ =	shalt  }
0x65: {  	_ =	shalt  }
0x66: {  	_ =	shalt  }
0x67: {  	_ =	shalt  }
0x68: {  	_ =	shalt  }
0x69: {  	_ =	shalt  }
0x6a: {  	_ =	shalt  }
0x6b: {  	_ =	shalt  }
0x6c: {  	_ =	shalt  }
0x6d: {  	_ =	shalt  }
0x6e: {  	_ =	shalt  }
0x6f: {  	_ =	shalt  }
0x70: {  	_ =	shalt  }
0x71: {  	_ =	shalt  }
0x72: {  	_ =	shalt  }
0x73: {  	_ =	shalt  }
0x74: {  	_ =	shalt  }
0x75: {  	_ =	shalt  }
0x76: {  	_ =	shalt  }
0x77: {  	_ =	shalt  }
0x78: {  	_ =	shalt  }
0x79: {  	_ =	shalt  }
0x7a: {  	_ =	shalt  }
0x7b: {  	_ =	shalt  }
0x7c: {  	_ =	shalt  }
0x7d: {  	_ =	shalt  }
0x7e: {  	_ =	shalt  }
0x7f: {  	_ =	shalt  }
0x80: {  	_ =	shalt  }
0x81: {  	_ =	shalt  }
0x82: {  	_ =	shalt  }
0x83: {  	_ =	shalt  }
0x84: {  	_ =	shalt  }
0x85: {  	_ =	shalt  }
0x86: {  	_ =	shalt  }
0x87: {  	_ =	shalt  }
.Lfunc_end0:
.L_simem_size_0:
called_computation_lowered:
.L_overlay_start_0:
0x88: {  	s2 =	sld [smem:$0x3FD9]  }
0x89: {  	s3 =	sld [smem:$0x3FFE];
	_ =	sdelay $0x1  }
0x8a: {  	s1 =	srdreg.scid  }
0x8b: {  	s0 =	sand.u32 $0x1, s1  }
0x8c: {  	s17 =	sshll.u32 s0, $0xA;
	s2 =	sadd.s32 s3, s2  }
0x8d: {  	s2 =	sadd.s32 s2, s17  }
0x8e: {  	[smem:$0x3FC5] =	sst s2  }
0x8f: {  	_ = 	snop  }
0x90: {  	s2 =	sld [smem:$0x3FC9]  }
0x91: {  	s18 =	sld [smem:$0x3FC8];
	(tm) =	ssettm $0x1  }
0x92: {  	s4 =	sld [smem:$0x3FFB];
	_ =	sdelay $0x3  }
0x93: {  	_ =	strace s4  }
0x94: {  	s4 =	sld [smem:$0x3FFC];
	_ =	sdelay $0x3  }
0x95: {  	_ =	strace s4  }
0x96: {  	s4 =	sld [smem:$0x3FFD];
	_ =	sdelay $0x3  }
0x97: {  	_ =	strace s4  }
0x98: {  	_ =	strace $0x8FFFFFFF  }
0x99: {  	s19 =	sld [smem:$0x3FDB];
	_ =	sdelay $0x1  }
0x9a: {  	s5 =	simm.s32 $_scs_section_size  }
0x9b: {  	s6 =	simm.s32 $_size__tile_overlayer_lowered;
	s7 =	simm.s32 $_tile_overlayer_lowered  }
0x9c: {  	s22 =	simm.s32 $0x1BFF;
	s21 =	sshll.u32 s7, $0x1;
	s4 =	sadd.s32 s5, s19  }
0x9d: {  	s8 =	simm.s32 $0x0;
	s20 =	sshll.u32 s6, $0x1;
	s6 =	sadd.s32 s21, s4  }
0x9e: {  	[timem:s8], [sflag:s22] =	dma.local [hbm:s6], s20  }
0x9f: {  	_ =	swait.ge [sflag:s22], s20  }
0xa0: {  	s5 =	ssub.s32 $0x0, s20;
	[sflag:s22] =	ssyncset.done $0x0  }
0xa1: {  	[sflag:s22] =	ssyncadd.s32 s5;
	_ =	sdelay $0x1  }
0xa2: {  	s23 =	simm.s32 $0x1B8B  }
0xa3: {  	_ =	swait.ge [sflag:s23], $0x1  }
0xa4: {  	[sflag:s23] =	ssyncset.done $0x0  }
0xa5: {  	s25 =	simm.s32 $0x1B8E;
	s24 =	sld [smem:$0x3FFE];
	[sflag:s23] =	ssyncadd.s32 $0xFFFFFFFF  }
0xa6: {  	s26 =	simm.s32 $execute0_lowered;
	[smem:$0x3FD2] =	sst s25  }
0xa7: {  	s6 =	sshll.u32 s26, $0x1;
	_ =	strace $0x80000046;
	[dreg:$0x1] =	wrdreg $0xFFFFFFFF  }
0xa8: {  	s28 =	simm.s32 $_size_execute0_lowered;
	s4 =	sadd.s32 s4, s6;
	[dreg:$0x0] =	wrdreg $0x0  }
0xa9: {  	s6 =	sshll.u32 s28, $0x1;
	[dreg:$0x2] =	wrdreg s4  }
0xaa: {  	[dreg:$0x3] =	wrdreg s6  }
0xab: {  	[dreg:$0x4] =	wrdreg $0xC0  }
0xac: {  	_ =	task [dreg:s8], $0x5FFFF  }
0xad: {  	[dreg:$0x1] =	wrdreg $0xFFFFFFFF  }
0xae: {  	[dreg:$0x0] =	wrdreg $0x60  }
0xaf: {  	[dreg:$0x2] =	wrdreg s2  }
0xb0: {  	[dreg:$0x3] =	wrdreg s18  }
0xb1: {  	[dreg:$0x4] =	wrdreg s24  }
0xb2: {  	[dreg:$0x5] =	wrdreg $0xC6000  }
0xb3: {  	[dreg:$0x6] =	wrdreg $0x9  }
0xb4: {  	_ =	task.clear_ibuf [dreg:s8], $0x7FFFF;
	_ =	strace $0x90000046  }
0xb5: {  	s29 =	simm.s32 $0x9;
	_ =	strace $0x80000048  }
0xb6: {  	_ =	swait.ge [sflag:s29], $0x1  }
0xb7: {  	[sflag:s29] =	ssyncadd.s32 $0xFFFFFFFF  }
0xb8: {  	_ =	strace $0x90000048  }
0xb9: {  	_ =	sfence  }
0xba: {  	s30 =	sld [smem:$0x0];
	_ =	sdelay $0x2  }
0xbb: {  	s31 =	sshll.u32 s1, $0xD;
	s1 =	sshrl.u32 s1, $0x2  }
0xbc: {  	s3 =	sand.u32 $0x4000, s31;
	s1 =	sadd.s32 s1, s30  }
0xbd: {  	s0 =	sor.u32 s3, s0;
	s1 =	sshll.u32 s1, $0x11  }
0xbe: {  	s0 =	sor.u32 s1, s0  }
0xbf: {  	s0 =	sadd.s32 $0x8F2B, s0  }
0xc0: {  	[sflag:s0] =	ssyncadd.remote.s32 $0x1  }
0xc1: {  	_ =	sfence.sel $0xFFFF  }
0xc2: {  	[dreg:$0x0] =	wrdreg $0xFFFFFFFF;
	(pc) =	sbr.abs _section_cstart, $3  }
0xc3: {  	[dreg:$0x1] =	wrdreg $0xFFFFFFFF  }
0xc4: {  	_ =	task.clear_ibuf [dreg:s8], $0x2FFFF;
	_ =	strace $0x9FFFFFFF  }
0xc5: {  	(tm) =	ssettm $0x7FFFFFFF  }
tec
execute0_lowered:
.L_overlay_start_1:
0x0: {  	(tag) =	ssettag $0x1  }
0x1: {  	s1 =	rddreg [dreg:$0x0]  }
0x2: {  	s0 =	rddreg [dreg:$0x1]  }
0x3: {  	s6 =	rddreg [dreg:$0x2]  }
0x4: {  	s3 =	rddreg [dreg:$0x3];
	s4 =	simm.s32 $0x0;
	s2 =	srdreg.scid  }
0x5: {  	s25 =	stileid.u32;
	[smem:$0x7FF] =	sst s4;
	s2 =	sand.u32 $0x1, s2  }
0x6: {  	s7 =	sshll.u32 s25, $0x1;
	s11 =	sor.u32 $0x10, s25;
	s12 =	smul.u32 $0x2800, s25  }
0x7: {  	s30 =	sor.u32 $0x20, s25;
	s15 =	sor.u32 $0x30, s25;
	s29 =	smul.u32 $0x138800, s2  }
0x8: {  	s18 =	sor.u32 $0x50, s25;
	s21 =	sor.u32 $0x70, s25;
	s13 =	smul.u32 $0x2800, s11  }
0x9: {  	s6 =	sadd.s32 $0x600, s6;
	p2 =	sgt.u32 s25, $0xC;
	s16 =	smul.u32 $0x2800, s30  }
0xa: {  	_ =	strace $0x80000047;
	s5 =	ssub.s32 $0x2, s2;
	s17 =	smul.u32 $0x2800, s15  }
0xb: {  	s8 =	ssub.s32 $0x9C4, s7;
	s26 =	ssub.s32 $0x964, s7;
	s20 =	smul.u32 $0x2800, s18  }
0xc: {  	s28 =	ssub.s32 $0x944, s7;
	s23 =	smul.u32 $0x2800, s21;
	[dreg:$0x5] =	wrdreg s8  }
0xd: {  	s10 =	ssub.s32 $0x984, s7;
	s11 =	smul.u32 $0xA000, s11;
	[dreg:$0x6] =	wrdreg s26  }
0xe: {  	s14 =	ssub.s32 $0x924, s7;
	s15 =	smul.u32 $0xA000, s15;
	[dreg:$0x8] =	wrdreg s28  }
0xf: {  	p1 =	sgt.u32 s21, $0x7C;
	s21 =	smul.u32 $0xA000, s21;
	[dreg:$0x9] =	wrdreg s10  }
0x10: {  	s9 =	sshrl.u32 s5, $0x1;
	[dreg:$0xa] =	wrdreg s14;
	s14 =	sor.u32 $0x40, s25  }
0x11: {  	s10 =	smul.u32 $0xA000, s30;
	s9 =	ssub.s32 s5, s9;
	s5 =	sor.u32 s2, s7  }
0x12: {  	s7 =	ssub.s32 $0x9A4, s7;
	s19 =	smul.u32 $0x2800, s14;
	s12 =	sadd.s32 s29, s12  }
0x13: {  	s13 =	sadd.s32 s29, s13;
	s16 =	sadd.s32 s29, s16;
	s17 =	sadd.s32 s29, s17  }
0x14: {  	s20 =	sadd.s32 s29, s20;
	s8 =	sadd.s32 s29, s23;
	s2 =	sshll.u32 s2, $0x5  }
0x15: {  	[dreg:$0x7] =	wrdreg s7;
	s7 =	sor.u32 $0x60, s25;
	s31 =	sshll.u32 s5, $0x5  }
0x16: {  	s12 =	sshrl.u32 s12, $0x3;
	s13 =	sshrl.u32 s13, $0x3;
	s23 =	sshrl.u32 s16, $0x3  }
0x17: {  	s24 =	sshrl.u32 s17, $0x3;
	s30 =	sshrl.u32 s20, $0x3;
	s8 =	sshrl.u32 s8, $0x3  }
0x18: {  	s16 =	sshrl.u32 s11, $0x2;
	s17 =	smul.u32 $0xA000, s14;
	s12 =	sadd.s32 s6, s12  }
0x19: {  	s20 =	sshrl.u32 s10, $0x2;
	s13 =	sadd.s32 s6, s13;
	[dreg:$0xc] =	wrdreg s12  }
0x1a: {  	s10 =	simm.s32 $0x600;
	s26 =	sadd.s32 s0, s31;
	[dreg:$0xd] =	wrdreg s13  }
0x1b: {  	s22 =	smul.u32 $0x2800, s7;
	s12 =	sadd.s32 s6, s23;
	[dreg:$0xb] =	wrdreg s26  }
0x1c: {  	s19 =	sadd.s32 s29, s19;
	s13 =	smax.u32 s9, $0x1;
	[dreg:$0xe] =	wrdreg s12  }
0x1d: {  	s28 =	sshrl.u32 s19, $0x3;
	s12 =	sadd.s32 s6, s24;
	[dreg:$0x15] =	wrdreg s13  }
0x1e: {  	s22 =	sadd.s32 s29, s22;
	s29 =	sadd.s32 s6, s28;
	[dreg:$0xf] =	wrdreg s12  }
0x1f: {  	s9 =	sshrl.u32 s17, $0x2;
	s28 =	sadd.s32 $0x800, s26;
	[dreg:$0x10] =	wrdreg s29  }
0x20: {  	s11 =	simm.s32 $0x7;
	s9 =	sadd.s32 s9, s3;
	[dreg:$0x1c] =	wrdreg s28  }
0x21: {  	s7 =	smul.u32 $0xA000, s7;
	s12 =	sadd.s32 s6, s30;
	[dreg:$0x17] =	wrdreg s9  }
0x22: {  	s19 =	smul.u32 $0xA000, s18;
	s29 =	sadd.s32 $0xC00, s26;
	[dreg:$0x11] =	wrdreg s12  }
0x23: {  	s23 =	sshrl.u32 s7, $0x2;
	s30 =	sadd.s32 $0x1000, s26;
	[dreg:$0x1d] =	wrdreg s29  }
0x24: {  	s24 =	sshrl.u32 s21, $0x2;
	s18 =	sadd.s32 s23, s3;
	[dreg:$0x1e] =	wrdreg s30  }
0x25: {  	s31 =	sshrl.u32 s22, $0x3;
	s7 =	sadd.s32 s24, s3;
	[dreg:$0x19] =	wrdreg s18  }
0x26: {  	s14 =	sadd.s32 s16, s3;
	s12 =	sadd.s32 s6, s31;
	[dreg:$0x1a] =	wrdreg s7  }
0x27: {  	s13 =	simm.s32 $0x0;
	s6 =	sadd.s32 s6, s8;
	[dreg:$0x12] =	wrdreg s12  }
0x28: {  	s22 =	sshrl.u32 s19, $0x2;
	s8 =	sshll.u32 s25, $0x6;
	[dreg:$0x13] =	wrdreg s6  }
0x29: {  	s17 =	sadd.s32 s22, s3;
	s31 =	sadd.s32 $0x1400, s26;
	[dreg:$0x14] =	wrdreg s8  }
0x2a: {  	s0 =	sadd.s32 s8, s0;
	s12 =	smul.u32 $0xA000, s25;
	[dreg:$0x1f] =	wrdreg s31  }
0x2b: {  	s25 =	sadd.s32 $0x400, s26;
	[dreg:$0x18] =	wrdreg s17;
	s0 =	sadd.s32 s2, s0  }
0x2c: {  	s2 =	sshrl.u32 s15, $0x2;
	s15 =	sadd.s32 $0x2C00, s0;
	s0 =	simm.s32 @!p1 $0x0  }
0x2d: {  	s8 =	sadd.s32 s20, s3;
	[dreg:$0x1b] =	wrdreg s25;
	s0 =	simm.s32 @p1 $0x1  }
0x2e: {  	s16 =	sadd.s32 s2, s3;
	[smem:$0x7FC] =	sst s0;
	s0 =	simm.s32 @!p2 $0x0  }
0x2f: {  	s6 =	sshrl.u32 s12, $0x2;
	[dreg:$0x16] =	wrdreg s16;
	s0 =	simm.s32 @p2 $0x1  }
0x30: {  	v0 =	vimm.f32 $0.0e+00;
	s20 =	simm.s32 $0x80;
	s12 =	sadd.s32 s6, s3;
	[smem:$0x7FD] =	sst s0  }
.LBB2_1:
0x31: {  	s0 =	rddreg [dreg:$0xb]  }
0x32: {  	[tilespmem:s4], [sflag:$0x1] =	stream.linear.gather [hbm4b:s0+s4], $0x100, $0x38;
	[tilespmem:$0x1FE80] =	vst v63  }
0x33: {  	s19 =	rddreg [dreg:$0x1b];
	s2 =	simm.s32 $0x100  }
0x34: {  	[tilespmem:s2], [sflag:$0x2] =	stream.linear.gather [hbm4b:s19+s4], $0x100, $0x38;
	[tilespmem:$0x1FE80] =	vst v63  }
0x35: {  	s21 =	rddreg [dreg:$0x1c];
	s6 =	simm.s32 $0x200  }
0x36: {  	[tilespmem:s6], [sflag:$0x3] =	stream.linear.gather [hbm4b:s21+s4], $0x100, $0x38;
	[tilespmem:$0x1FE80] =	vst v63  }
0x37: {  	s22 =	rddreg [dreg:$0x1d];
	s19 =	simm.s32 $0x300  }
0x38: {  	[tilespmem:s19], [sflag:$0x4] =	stream.linear.gather [hbm4b:s22+s4], $0x100, $0x38;
	[tilespmem:$0x1FE80] =	vst v63  }
0x39: {  	s23 =	rddreg [dreg:$0x1e];
	s24 =	simm.s32 $0x400  }
0x3a: {  	[tilespmem:s24], [sflag:$0x5] =	stream.linear.gather [hbm4b:s23+s4], $0x100, $0x38;
	[tilespmem:$0x1FE80] =	vst v63  }
0x3b: {  	s25 =	rddreg [dreg:$0x1f];
	s26 =	simm.s32 $0x500;
	s28 =	simm.s32 $0x2  }
0x3c: {  	[tilespmem:s26], [sflag:$0x6] =	stream.linear.gather [hbm4b:s25+s4], $0x100, $0x38;
	[tilespmem:$0x1FE80] =	vst v63  }
0x3d: {  	_ =	swait.ge [sflag:s28], $0x100  }
0x3e: {  	[sflag:s28] =	ssyncset.done $0x0  }
0x3f: {  	s29 =	simm.s32 $0x4600;
	s30 =	simm.s32 $0x3;
	[sflag:s28] =	ssyncadd.s32 $0xFFFFFF00  }
0x40: {  	[tilespmem:s29], [sflag:$0x8] =	stream.indirect.gather [hbm4b:s1+s20], $0x80, s2, s20, $0xb8;
	[tilespmem:$0x1FE80] =	vst v63  }
0x41: {  	_ =	swait.ge [sflag:s30], $0x100  }
0x42: {  	s31 =	simm.s32 $0x8600;
	[sflag:s30] =	ssyncset.done $0x0  }
0x43: {  	s0 =	simm.s32 $0x0;
	s2 =	simm.s32 $0x200;
	[sflag:s30] =	ssyncadd.s32 $0xFFFFFF00  }
0x44: {  	[tilespmem:s31], [sflag:$0x9] =	stream.indirect.gather [hbm4b:s1+s20], $0x80, s6, s20, $0xb8;
	[tilespmem:$0x1FE80] =	vst v63  }
.LBB2_2:
0x45: {  	p0 =	sne.s32 s2, $0x9E00;
	[tilespmem:s0+$0x670] =	vst v0  }
0x46: {  	[tilespmem:s0+$0x600] =	vst v0  }
0x47: {  	[tilespmem:s0+$0x610] =	vst v0  }
.Ltmp0:
0x48: {  	[tilespmem:s0+$0x620] =	vst v0;
	(pc) =	sbr.rel @p0 .LBB2_2-.Ltmp0, $4  }
0x49: {  	[tilespmem:s0+$0x630] =	vst v0  }
0x4a: {  	[tilespmem:s0+$0x640] =	vst v0  }
0x4b: {  	[tilespmem:s0+$0x650] =	vst v0  }
0x4c: {  	[tilespmem:s0+$0x660] =	vst v0;
	s0 =	sshra.s32 s2, $0x2;
	s2 =	sadd.s32 $0x200, s2  }
0x4d: {  	[tilespmem:s0+$0x670] =	vst v0  }
0x4e: {  	[tilespmem:s0+$0x600] =	vst v0  }
0x4f: {  	[tilespmem:s0+$0x610] =	vst v0  }
0x50: {  	[tilespmem:s0+$0x620] =	vst v0  }
0x51: {  	[tilespmem:s0+$0x630] =	vst v0  }
0x52: {  	[tilespmem:s0+$0x640] =	vst v0  }
0x53: {  	[tilespmem:s0+$0x650] =	vst v0  }
0x54: {  	[tilespmem:s0+$0x660] =	vst v0  }
0x55: {  	[spmem:s12] =	stream.linear.scatter [tilespmem:s10], [sflag:$0x7], $0x2800, $0x38;
	[tilespmem:$0x1FE80] =	vst v63  }
0x56: {  	_ = 	snop  }
0x57: {  	[spmem:s14] =	stream.linear.scatter [tilespmem:s10], [sflag:$0x7], $0x2800, $0x38;
	[tilespmem:$0x1FE80] =	vst v63  }
0x58: {  	_ = 	snop  }
0x59: {  	[spmem:s8] =	stream.linear.scatter [tilespmem:s10], [sflag:$0x7], $0x2800, $0x38;
	[tilespmem:$0x1FE80] =	vst v63  }
0x5a: {  	_ = 	snop  }
0x5b: {  	[spmem:s16] =	stream.linear.scatter [tilespmem:s10], [sflag:$0x7], $0x2800, $0x38;
	[tilespmem:$0x1FE80] =	vst v63  }
0x5c: {  	_ = 	snop  }
0x5d: {  	[spmem:s9] =	stream.linear.scatter [tilespmem:s10], [sflag:$0x7], $0x2800, $0x38;
	[tilespmem:$0x1FE80] =	vst v63  }
0x5e: {  	_ = 	snop  }
0x5f: {  	[spmem:s17] =	stream.linear.scatter [tilespmem:s10], [sflag:$0x7], $0x2800, $0x38;
	[tilespmem:$0x1FE80] =	vst v63  }
0x60: {  	_ = 	snop  }
0x61: {  	[spmem:s18] =	stream.linear.scatter [tilespmem:s10], [sflag:$0x7], $0x2800, $0x38;
	[tilespmem:$0x1FE80] =	vst v63  }
0x62: {  	s0 =	simm.s32 @!p1 $0x600  }
0x63: {  	[spmem:s7] =	stream.linear.scatter @!p1 [tilespmem:s0], [sflag:$0x7], $0x2800, $0x38;
	[tilespmem:$0x1FE80] =	vst v63  }
0x64: {  	_ =	swait.ge [sflag:s11], $0x2800  }
0x65: {  	[sflag:s11] =	ssyncset.done $0x0  }
0x66: {  	[sflag:s11] =	ssyncadd.s32 $0xFFFFD800  }
0x67: {  	_ =	swait.ge [sflag:s11], $0x2800  }
0x68: {  	[sflag:s11] =	ssyncset.done $0x0  }
0x69: {  	[sflag:s11] =	ssyncadd.s32 $0xFFFFD800  }
0x6a: {  	_ =	swait.ge [sflag:s11], $0x2800  }
0x6b: {  	[sflag:s11] =	ssyncset.done $0x0  }
0x6c: {  	[sflag:s11] =	ssyncadd.s32 $0xFFFFD800  }
0x6d: {  	_ =	swait.ge [sflag:s11], $0x2800  }
0x6e: {  	[sflag:s11] =	ssyncset.done $0x0  }
0x6f: {  	[sflag:s11] =	ssyncadd.s32 $0xFFFFD800  }
0x70: {  	_ =	swait.ge [sflag:s11], $0x2800  }
0x71: {  	[sflag:s11] =	ssyncset.done $0x0  }
0x72: {  	[sflag:s11] =	ssyncadd.s32 $0xFFFFD800  }
0x73: {  	_ =	swait.ge [sflag:s11], $0x2800  }
0x74: {  	[sflag:s11] =	ssyncset.done $0x0  }
0x75: {  	[sflag:s11] =	ssyncadd.s32 $0xFFFFD800  }
0x76: {  	_ =	swait.ge [sflag:s11], $0x2800  }
0x77: {  	[sflag:s11] =	ssyncset.done $0x0  }
0x78: {  	s0 =	simm.s32 @!p2 $0x7;
	[sflag:s11] =	ssyncadd.s32 $0xFFFFD800  }
0x79: {  	_ =	swait.ge @!p2 [sflag:s0], $0x2800  }
0x7a: {  	[sflag:s0] =	ssyncset.done @!p2 $0x0  }
0x7b: {  	s9 =	simm.s32 $0x1;
	[sflag:s0] =	ssyncadd.s32 @!p2 $0xFFFFD800  }
0x7c: {  	_ =	swait.ge [sflag:s9], $0x100  }
0x7d: {  	[sflag:s9] =	ssyncset.done $0x0  }
0x7e: {  	s22 =	smov.u32 s12;
	s12 =	simm.s32 $0x0;
	[sflag:s9] =	ssyncadd.s32 $0xFFFFFF00  }
0x7f: {  	[tilespmem:s10], [sflag:$0x7] =	stream.indirect.gather [hbm4b:s1+s20], $0x80, s12, s20, $0xb8;
	[tilespmem:$0x1FE80] =	vst v63  }
0x80: {  	[bflag:$0x0] =	sbarrier.arrive $0xFFFF  }
0x81: {  	s23 =	smov.u32 s14;
	s14 =	rddreg [dreg:$0x5]  }
0x82: {  	p1 =	sle.u32 s14, $0x0  }
0x83: {  	s0 =	simm.s32 @!p1 $0x7  }
0x84: {  	_ =	swait.ge @!p1 [sflag:s0], $0x4000  }
0x85: {  	s2 =	simm.s32 @!p1 $0x80;
	[sflag:s0] =	ssyncset.done @!p1 $0x0  }
0x86: {  	s6 =	simm.s32 @!p1 $0x600;
	[sflag:s0] =	ssyncadd.s32 @!p1 $0xFFFFC000;
	s0 =	simm.s32 @!p1 $0xA  }
0x87: {  	[spmem:s3] =	stream.indirect.scatter.add.f32 @!p1 [tilespmem:s6], [sflag:$0xA], $0x80, s2, s2, $0xb8;
	[tilespmem:$0x1FE80] =	vst v63  }
0x88: {  	_ =	swait.ge @!p1 [sflag:s0], $0x4000  }
0x89: {  	s24 =	smov.u32 s8;
	s16 =	rddreg [dreg:$0x6]  }
0x8a: {  	s2 =	sadd.s32 $0x0, s5;
	[sflag:s0] =	ssyncset.done @!p1 $0x0;
	p0 =	sle.u32 s16, $0x0  }
0x8b: {  	s17 =	sadd.s32 $0xC0, s2;
	[sflag:s0] =	ssyncadd.s32 @!p1 $0xFFFFC000;
	s0 =	simm.s32 @!p0 $0x4  }
0x8c: {  	p2 =	sgt.u32 s17, $0x9C3;
	s9 =	simm.s32 @!p0 $0x300;
	_ =	swait.ge @!p0 [sflag:s0], $0x100  }
0x8d: {  	s7 =	simm.s32 @!p0 $0x600;
	[sflag:s0] =	ssyncset.done @!p0 $0x0;
	s18 =	rddreg [dreg:$0x7]  }
0x8e: {  	s8 =	simm.s32 @!p0 $0x80;
	[sflag:s0] =	ssyncadd.s32 @!p0 $0xFFFFFF00;
	p3 =	sle.u32 s18, $0x0  }
0x8f: {  	[tilespmem:s7], [sflag:$0x7] =	stream.indirect.gather @!p0 [hbm4b:s1+s8], $0x80, s9, s8, $0xb8;
	[tilespmem:$0x1FE80] =	vst v63  }
0x90: {  	s6 =	simm.s32 @!p2 $0x0;
	s0 =	sadd.s32 @!p2 $0xFFFFEC00, s15;
	s9 =	simm.s32 @!p3 $0x8  }
0x91: {  	[tilespmem:s6], [sflag:$0x1] =	stream.linear.gather @!p2 [hbm4b:s0+s6], $0x100, $0x38;
	[tilespmem:$0x1FE80] =	vst v63  }
0x92: {  	_ =	swait.ge @!p3 [sflag:s9], $0x4000  }
0x93: {  	s12 =	simm.s32 @!p3 $0xA;
	s14 =	simm.s32 @!p3 $0x80;
	[sflag:s9] =	ssyncset.done @!p3 $0x0  }
0x94: {  	s16 =	simm.s32 @!p3 $0x180;
	s0 =	simm.s32 @!p3 $0x4600;
	[sflag:s9] =	ssyncadd.s32 @!p3 $0xFFFFC000  }
0x95: {  	[spmem:s3] =	stream.indirect.scatter.add.f32 @!p3 [tilespmem:s0], [sflag:$0xA], $0x80, s16, s14, $0xb8;
	[tilespmem:$0x1FE80] =	vst v63  }
0x96: {  	_ =	swait.ge @!p3 [sflag:s12], $0x4000  }
0x97: {  	s19 =	rddreg [dreg:$0x8]  }
0x98: {  	s20 =	sadd.s32 $0xE0, s2;
	[sflag:s12] =	ssyncset.done @!p3 $0x0;
	p5 =	sle.u32 s19, $0x0  }
0x99: {  	p1 =	sgt.u32 s20, $0x9C3;
	[sflag:s12] =	ssyncadd.s32 @!p3 $0xFFFFC000;
	s12 =	simm.s32 @!p5 $0x5  }
0x9a: {  	s17 =	simm.s32 @!p1 $0x0;
	s9 =	simm.s32 @!p5 $0x4600;
	_ =	swait.ge @!p5 [sflag:s12], $0x100  }
0x9b: {  	s16 =	simm.s32 @!p5 $0x400;
	[sflag:s12] =	ssyncset.done @!p5 $0x0;
	s21 =	rddreg [dreg:$0x9]  }
0x9c: {  	[sflag:s12] =	ssyncadd.s32 @!p5 $0xFFFFFF00;
	s12 =	simm.s32 @!p5 $0x80;
	p3 =	sle.u32 s21, $0x0  }
0x9d: {  	[tilespmem:s9], [sflag:$0x8] =	stream.indirect.gather @!p5 [hbm4b:s1+s12], $0x80, s16, s12, $0xb8;
	[tilespmem:$0x1FE80] =	vst v63  }
0x9e: {  	s0 =	simm.s32 @!p1 $0x100;
	s16 =	sadd.s32 @!p1 $0xFFFFF000, s15;
	s14 =	simm.s32 @!p3 $0x9  }
0x9f: {  	[tilespmem:s0], [sflag:$0x2] =	stream.linear.gather @!p1 [hbm4b:s16+s17], $0x100, $0x38;
	[tilespmem:$0x1FE80] =	vst v63  }
0xa0: {  	_ =	swait.ge @!p3 [sflag:s14], $0x4000  }
0xa1: {  	s18 =	simm.s32 @!p3 $0x280;
	s16 =	simm.s32 @!p3 $0x8600;
	[sflag:s14] =	ssyncset.done @!p3 $0x0  }
0xa2: {  	s17 =	simm.s32 @!p3 $0xA;
	[sflag:s14] =	ssyncadd.s32 @!p3 $0xFFFFC000;
	s14 =	simm.s32 @!p3 $0x80  }
0xa3: {  	[spmem:s3] =	stream.indirect.scatter.add.f32 @!p3 [tilespmem:s16], [sflag:$0xA], $0x80, s18, s14, $0xb8;
	[tilespmem:$0x1FE80] =	vst v63  }
0xa4: {  	_ =	swait.ge @!p3 [sflag:s17], $0x4000  }
0xa5: {  	s25 =	rddreg [dreg:$0xa]  }
0xa6: {  	[sflag:s17] =	ssyncset.done @!p3 $0x0;
	p4 =	sle.u32 s25, $0x0  }
0xa7: {  	[sflag:s17] =	ssyncadd.s32 @!p3 $0xFFFFC000;
	s14 =	simm.s32 @!p4 $0x6  }
0xa8: {  	s26 =	sadd.s32 $0x100, s2;
	_ =	swait.ge @!p4 [sflag:s14], $0x100  }
0xa9: {  	p3 =	sgt.u32 s26, $0x9C3;
	s29 =	simm.s32 @!p4 $0x8600;
	[sflag:s14] =	ssyncset.done @!p4 $0x0  }
0xaa: {  	s30 =	simm.s32 @!p4 $0x80;
	[sflag:s14] =	ssyncadd.s32 @!p4 $0xFFFFFF00;
	s14 =	simm.s32 @!p4 $0x500  }
0xab: {  	[tilespmem:s29], [sflag:$0x9] =	stream.indirect.gather @!p4 [hbm4b:s1+s30], $0x80, s14, s30, $0xb8;
	[tilespmem:$0x1FE80] =	vst v63  }
0xac: {  	s16 =	sadd.s32 @!p3 $0xFFFFF400, s15;
	s26 =	simm.s32 @!p3 $0x200;
	s14 =	simm.s32 @!p3 $0x0  }
0xad: {  	[tilespmem:s26], [sflag:$0x3] =	stream.linear.gather @!p3 [hbm4b:s16+s14], $0x100, $0x38;
	[tilespmem:$0x1FE80] =	vst v63  }
0xae: {  	s14 =	simm.s32 @!p0 $0x7  }
0xaf: {  	_ =	swait.ge @!p0 [sflag:s14], $0x4000  }
0xb0: {  	[sflag:s14] =	ssyncset.done @!p0 $0x0  }
0xb1: {  	[sflag:s14] =	ssyncadd.s32 @!p0 $0xFFFFC000;
	s14 =	simm.s32 @!p0 $0x380  }
0xb2: {  	[spmem:s3] =	stream.indirect.scatter.add.f32 @!p0 [tilespmem:s7], [sflag:$0xA], $0x80, s14, s8, $0xb8;
	[tilespmem:$0x1FE80] =	vst v63  }
0xb3: {  	s7 =	simm.s32 @!p0 $0xA  }
0xb4: {  	_ =	swait.ge @!p0 [sflag:s7], $0x4000  }
0xb5: {  	[sflag:s7] =	ssyncset.done @!p0 $0x0  }
0xb6: {  	[sflag:s7] =	ssyncadd.s32 @!p0 $0xFFFFC000;
	s7 =	simm.s32 @!p2 $0x1  }
0xb7: {  	_ =	swait.ge @!p2 [sflag:s7], $0x100  }
0xb8: {  	s28 =	sadd.s32 $0x120, s2;
	s8 =	simm.s32 @!p2 $0x80;
	[sflag:s7] =	ssyncset.done @!p2 $0x0  }
0xb9: {  	p0 =	sgt.u32 s28, $0x9C3;
	[sflag:s7] =	ssyncadd.s32 @!p2 $0xFFFFFF00;
	s7 =	simm.s32 @!p2 $0x600  }
0xba: {  	[tilespmem:s7], [sflag:$0x7] =	stream.indirect.gather @!p2 [hbm4b:s1+s8], $0x80, s6, s8, $0xb8;
	[tilespmem:$0x1FE80] =	vst v63  }
0xbb: {  	s6 =	simm.s32 @!p0 $0x0;
	s7 =	sadd.s32 @!p0 $0xFFFFF800, s15;
	s8 =	simm.s32 @!p0 $0x300  }
0xbc: {  	[tilespmem:s8], [sflag:$0x4] =	stream.linear.gather @!p0 [hbm4b:s7+s6], $0x100, $0x38;
	[tilespmem:$0x1FE80] =	vst v63  }
0xbd: {  	s6 =	simm.s32 @!p5 $0x8  }
0xbe: {  	_ =	swait.ge @!p5 [sflag:s6], $0x4000  }
0xbf: {  	[sflag:s6] =	ssyncset.done @!p5 $0x0  }
0xc0: {  	s7 =	simm.s32 @!p5 $0xA;
	[sflag:s6] =	ssyncadd.s32 @!p5 $0xFFFFC000;
	s6 =	simm.s32 @!p5 $0x480  }
0xc1: {  	[spmem:s3] =	stream.indirect.scatter.add.f32 @!p5 [tilespmem:s9], [sflag:$0xA], $0x80, s6, s12, $0xb8;
	[tilespmem:$0x1FE80] =	vst v63  }
0xc2: {  	_ =	swait.ge @!p5 [sflag:s7], $0x4000  }
0xc3: {  	[sflag:s7] =	ssyncset.done @!p5 $0x0  }
0xc4: {  	s6 =	simm.s32 @!p1 $0x2;
	[sflag:s7] =	ssyncadd.s32 @!p5 $0xFFFFC000  }
0xc5: {  	_ =	swait.ge @!p1 [sflag:s6], $0x100  }
0xc6: {  	s31 =	sadd.s32 $0x140, s2;
	s8 =	simm.s32 @!p1 $0x80;
	[sflag:s6] =	ssyncset.done @!p1 $0x0  }
0xc7: {  	p0 =	sgt.u32 s31, $0x9C3;
	s9 =	simm.s32 @!p1 $0x4600;
	[sflag:s6] =	ssyncadd.s32 @!p1 $0xFFFFFF00  }
0xc8: {  	[tilespmem:s9], [sflag:$0x8] =	stream.indirect.gather @!p1 [hbm4b:s1+s8], $0x80, s0, s8, $0xb8;
	[tilespmem:$0x1FE80] =	vst v63  }
0xc9: {  	s7 =	simm.s32 @!p0 $0x400;
	s6 =	sadd.s32 @!p0 $0xFFFFFC00, s15;
	s0 =	simm.s32 @!p0 $0x0  }
0xca: {  	[tilespmem:s7], [sflag:$0x5] =	stream.linear.gather @!p0 [hbm4b:s6+s0], $0x100, $0x38;
	[tilespmem:$0x1FE80] =	vst v63  }
0xcb: {  	s2 =	sadd.s32 $0x160, s2;
	s25 =	smov.u32 s15;
	s6 =	simm.s32 @!p4 $0x9  }
0xcc: {  	s17 =	simm.s32 @!p4 $0x580;
	s16 =	simm.s32 $0xC0;
	_ =	swait.ge @!p4 [sflag:s6], $0x4000  }
0xcd: {  	s14 =	sadd.s32 $0x1800, s15;
	s0 =	simm.s32 $0x180;
	[sflag:s6] =	ssyncset.done @!p4 $0x0  }
.LBB2_4:
0xce: {  	[sflag:s6] =	ssyncadd.s32 @!p4 $0xFFFFC000;
	s6 =	simm.s32 @!p4 $0xA  }
0xcf: {  	[spmem:s3] =	stream.indirect.scatter.add.f32 @!p4 [tilespmem:s29], [sflag:$0xA], $0x80, s17, s30, $0xb8;
	[tilespmem:$0x1FE80] =	vst v63  }
0xd0: {  	_ =	swait.ge @!p4 [sflag:s6], $0x4000  }
0xd1: {  	[sflag:s6] =	ssyncset.done @!p4 $0x0  }
0xd2: {  	s7 =	simm.s32 @!p3 $0x3;
	[sflag:s6] =	ssyncadd.s32 @!p4 $0xFFFFC000  }
0xd3: {  	s9 =	simm.s32 @!p3 $0x8600;
	_ =	swait.ge @!p3 [sflag:s7], $0x100  }
0xd4: {  	p1 =	sgt.u32 s2, $0x9C3;
	s8 =	rddreg [dreg:$0x5];
	[sflag:s7] =	ssyncset.done @!p3 $0x0  }
0xd5: {  	s6 =	simm.s32 @!p3 $0x80;
	[sflag:s7] =	ssyncadd.s32 @!p3 $0xFFFFFF00;
	p0 =	sge.u32 s16, s8  }
0xd6: {  	[tilespmem:s9], [sflag:$0x9] =	stream.indirect.gather @!p3 [hbm4b:s1+s6], $0x80, s26, s6, $0xb8;
	[tilespmem:$0x1FE80] =	vst v63  }
0xd7: {  	s7 =	simm.s32 @!p1 $0x500;
	s2 =	simm.s32 @!p0 $0x7;
	s6 =	simm.s32 @!p1 $0x0  }
0xd8: {  	[tilespmem:s7], [sflag:$0x6] =	stream.linear.gather @!p1 [hbm4b:s25+s6], $0x100, $0x38;
	[tilespmem:$0x1FE80] =	vst v63  }
0xd9: {  	_ =	swait.ge @!p0 [sflag:s2], $0x4000  }
0xda: {  	s6 =	simm.s32 @!p0 $0x80;
	[sflag:s2] =	ssyncset.done @!p0 $0x0  }
0xdb: {  	s7 =	simm.s32 @!p0 $0x600;
	[sflag:s2] =	ssyncadd.s32 @!p0 $0xFFFFC000;
	s2 =	simm.s32 @!p0 $0xA  }
0xdc: {  	[spmem:s3] =	stream.indirect.scatter.add.f32 @!p0 [tilespmem:s7], [sflag:$0xA], $0x80, s6, s6, $0xb8;
	[tilespmem:$0x1FE80] =	vst v63  }
0xdd: {  	_ =	swait.ge @!p0 [sflag:s2], $0x4000  }
0xde: {  	[sflag:s2] =	ssyncset.done @!p0 $0x0;
	s18 =	rddreg [dreg:$0x6]  }
0xdf: {  	s17 =	sadd.s32 s16, s5;
	[sflag:s2] =	ssyncadd.s32 @!p0 $0xFFFFC000;
	p0 =	sge.u32 s16, s18  }
0xe0: {  	s19 =	sadd.s32 $0xC0, s17;
	s7 =	simm.s32 @!p0 $0x4  }
0xe1: {  	p5 =	sgt.u32 s19, $0x9C3;
	s8 =	simm.s32 @!p0 $0x300;
	_ =	swait.ge @!p0 [sflag:s7], $0x100  }
0xe2: {  	s9 =	simm.s32 @!p0 $0x600;
	[sflag:s7] =	ssyncset.done @!p0 $0x0;
	s18 =	rddreg [dreg:$0x7]  }
0xe3: {  	s12 =	simm.s32 @!p0 $0x80;
	[sflag:s7] =	ssyncadd.s32 @!p0 $0xFFFFFF00;
	p1 =	sge.u32 s16, s18  }
0xe4: {  	[tilespmem:s9], [sflag:$0x7] =	stream.indirect.gather @!p0 [hbm4b:s1+s12], $0x80, s8, s12, $0xb8;
	[tilespmem:$0x1FE80] =	vst v63  }
0xe5: {  	s7 =	sadd.s32 @!p5 $0xFFFFEC00, s14;
	s8 =	simm.s32 @!p5 $0x0;
	s18 =	simm.s32 @!p1 $0x8  }
0xe6: {  	[tilespmem:s8], [sflag:$0x1] =	stream.linear.gather @!p5 [hbm4b:s7+s8], $0x100, $0x38;
	[tilespmem:$0x1FE80] =	vst v63  }
0xe7: {  	_ =	swait.ge @!p1 [sflag:s18], $0x4000  }
0xe8: {  	s19 =	simm.s32 @!p1 $0xA;
	s26 =	simm.s32 @!p1 $0x80;
	[sflag:s18] =	ssyncset.done @!p1 $0x0  }
0xe9: {  	s29 =	simm.s32 @!p1 $0x180;
	s7 =	simm.s32 @!p1 $0x4600;
	[sflag:s18] =	ssyncadd.s32 @!p1 $0xFFFFC000  }
0xea: {  	[spmem:s3] =	stream.indirect.scatter.add.f32 @!p1 [tilespmem:s7], [sflag:$0xA], $0x80, s29, s26, $0xb8;
	[tilespmem:$0x1FE80] =	vst v63  }
0xeb: {  	_ =	swait.ge @!p1 [sflag:s19], $0x4000  }
0xec: {  	[sflag:s19] =	ssyncset.done @!p1 $0x0;
	s21 =	rddreg [dreg:$0x8]  }
0xed: {  	s20 =	sadd.s32 $0xE0, s17;
	[sflag:s19] =	ssyncadd.s32 @!p1 $0xFFFFC000;
	p1 =	sge.u32 s16, s21  }
0xee: {  	p6 =	sgt.u32 s20, $0x9C3;
	s19 =	simm.s32 @!p1 $0x5  }
0xef: {  	s7 =	simm.s32 @!p6 $0x100;
	s18 =	simm.s32 @!p1 $0x4600;
	_ =	swait.ge @!p1 [sflag:s19], $0x100  }
0xf0: {  	s20 =	simm.s32 @!p1 $0x400;
	[sflag:s19] =	ssyncset.done @!p1 $0x0;
	s30 =	rddreg [dreg:$0x9]  }
0xf1: {  	[sflag:s19] =	ssyncadd.s32 @!p1 $0xFFFFFF00;
	s19 =	simm.s32 @!p1 $0x80;
	p3 =	sge.u32 s16, s30  }
0xf2: {  	[tilespmem:s18], [sflag:$0x8] =	stream.indirect.gather @!p1 [hbm4b:s1+s19], $0x80, s20, s19, $0xb8;
	[tilespmem:$0x1FE80] =	vst v63  }
0xf3: {  	s26 =	sadd.s32 @!p6 $0xFFFFF000, s14;
	s29 =	simm.s32 @!p6 $0x0;
	s20 =	simm.s32 @!p3 $0x9  }
0xf4: {  	[tilespmem:s7], [sflag:$0x2] =	stream.linear.gather @!p6 [hbm4b:s26+s29], $0x100, $0x38;
	[tilespmem:$0x1FE80] =	vst v63  }
0xf5: {  	_ =	swait.ge @!p3 [sflag:s20], $0x4000  }
0xf6: {  	s30 =	simm.s32 @!p3 $0x280;
	s26 =	simm.s32 @!p3 $0x8600;
	[sflag:s20] =	ssyncset.done @!p3 $0x0  }
0xf7: {  	s29 =	simm.s32 @!p3 $0xA;
	[sflag:s20] =	ssyncadd.s32 @!p3 $0xFFFFC000;
	s20 =	simm.s32 @!p3 $0x80  }
0xf8: {  	[spmem:s3] =	stream.indirect.scatter.add.f32 @!p3 [tilespmem:s26], [sflag:$0xA], $0x80, s30, s20, $0xb8;
	[tilespmem:$0x1FE80] =	vst v63  }
0xf9: {  	s31 =	smov.u32 s0;
	_ =	swait.ge @!p3 [sflag:s29], $0x4000  }
0xfa: {  	s28 =	sadd.s32 $0x140, s17;
	s6 =	sadd.s32 $0x120, s17;
	s26 =	rddreg [dreg:$0xa]  }
0xfb: {  	s2 =	sadd.s32 $0x160, s17;
	[sflag:s29] =	ssyncset.done @!p3 $0x0;
	p4 =	sge.u32 s16, s26  }
0xfc: {  	s17 =	sadd.s32 $0x100, s17;
	[sflag:s29] =	ssyncadd.s32 @!p3 $0xFFFFC000;
	s30 =	simm.s32 @!p4 $0x6  }
0xfd: {  	p3 =	sgt.u32 s17, $0x9C3;
	s16 =	smov.u32 s31;
	_ =	swait.ge @!p4 [sflag:s30], $0x100  }
0xfe: {  	s20 =	simm.s32 @!p3 $0x0;
	s29 =	simm.s32 @!p4 $0x8600;
	[sflag:s30] =	ssyncset.done @!p4 $0x0  }
0xff: {  	s21 =	simm.s32 @!p4 $0x500;
	[sflag:s30] =	ssyncadd.s32 @!p4 $0xFFFFFF00;
	s30 =	simm.s32 @!p4 $0x80  }
0x100: {  	[tilespmem:s29], [sflag:$0x9] =	stream.indirect.gather @!p4 [hbm4b:s1+s30], $0x80, s21, s30, $0xb8;
	[tilespmem:$0x1FE80] =	vst v63  }
0x101: {  	s31 =	sadd.s32 @!p3 $0xFFFFF400, s14;
	s26 =	simm.s32 @!p3 $0x200;
	s21 =	simm.s32 @!p0 $0x7  }
0x102: {  	[tilespmem:s26], [sflag:$0x3] =	stream.linear.gather @!p3 [hbm4b:s31+s20], $0x100, $0x38;
	[tilespmem:$0x1FE80] =	vst v63  }
0x103: {  	_ =	swait.ge @!p0 [sflag:s21], $0x4000  }
0x104: {  	[sflag:s21] =	ssyncset.done @!p0 $0x0  }
0x105: {  	s20 =	simm.s32 @!p0 $0xA;
	[sflag:s21] =	ssyncadd.s32 @!p0 $0xFFFFC000;
	s21 =	simm.s32 @!p0 $0x380  }
0x106: {  	[spmem:s3] =	stream.indirect.scatter.add.f32 @!p0 [tilespmem:s9], [sflag:$0xA], $0x80, s21, s12, $0xb8;
	[tilespmem:$0x1FE80] =	vst v63  }
0x107: {  	_ =	swait.ge @!p0 [sflag:s20], $0x4000  }
0x108: {  	[sflag:s20] =	ssyncset.done @!p0 $0x0  }
0x109: {  	s9 =	simm.s32 @!p5 $0x1;
	[sflag:s20] =	ssyncadd.s32 @!p0 $0xFFFFC000  }
0x10a: {  	_ =	swait.ge @!p5 [sflag:s9], $0x100  }
0x10b: {  	s12 =	simm.s32 @!p5 $0x80;
	p0 =	sgt.u32 s6, $0x9C3;
	[sflag:s9] =	ssyncset.done @!p5 $0x0  }
0x10c: {  	s21 =	simm.s32 @!p5 $0x600;
	s6 =	simm.s32 @!p0 $0x0;
	[sflag:s9] =	ssyncadd.s32 @!p5 $0xFFFFFF00  }
0x10d: {  	[tilespmem:s21], [sflag:$0x7] =	stream.indirect.gather @!p5 [hbm4b:s1+s12], $0x80, s8, s12, $0xb8;
	[tilespmem:$0x1FE80] =	vst v63  }
0x10e: {  	s20 =	sadd.s32 @!p0 $0xFFFFF800, s14;
	s31 =	simm.s32 @!p0 $0x300;
	s8 =	simm.s32 @!p1 $0x8  }
0x10f: {  	[tilespmem:s31], [sflag:$0x4] =	stream.linear.gather @!p0 [hbm4b:s20+s6], $0x100, $0x38;
	[tilespmem:$0x1FE80] =	vst v63  }
0x110: {  	_ =	swait.ge @!p1 [sflag:s8], $0x4000  }
0x111: {  	[sflag:s8] =	ssyncset.done @!p1 $0x0  }
0x112: {  	s6 =	simm.s32 @!p1 $0x480;
	[sflag:s8] =	ssyncadd.s32 @!p1 $0xFFFFC000;
	s8 =	simm.s32 @!p1 $0xA  }
0x113: {  	[spmem:s3] =	stream.indirect.scatter.add.f32 @!p1 [tilespmem:s18], [sflag:$0xA], $0x80, s6, s19, $0xb8;
	[tilespmem:$0x1FE80] =	vst v63  }
0x114: {  	_ =	swait.ge @!p1 [sflag:s8], $0x4000  }
0x115: {  	[sflag:s8] =	ssyncset.done @!p1 $0x0  }
0x116: {  	s6 =	simm.s32 @!p6 $0x2;
	[sflag:s8] =	ssyncadd.s32 @!p1 $0xFFFFC000  }
0x117: {  	s0 =	sadd.s32 $0xC0, s0;
	_ =	swait.ge @!p6 [sflag:s6], $0x100  }
0x118: {  	p2 =	sne.s32 s0, $0xA80;
	s9 =	simm.s32 @!p6 $0x80;
	[sflag:s6] =	ssyncset.done @!p6 $0x0  }
0x119: {  	s12 =	simm.s32 @!p6 $0x4600;
	p0 =	sgt.u32 s28, $0x9C3;
	[sflag:s6] =	ssyncadd.s32 @!p6 $0xFFFFFF00  }
0x11a: {  	[tilespmem:s12], [sflag:$0x8] =	stream.indirect.gather @!p6 [hbm4b:s1+s9], $0x80, s7, s9, $0xb8;
	[tilespmem:$0x1FE80] =	vst v63  }
.Ltmp1:
0x11b: {  	s8 =	simm.s32 @!p0 $0x0;
	(pc) =	sbr.rel @p2 .LBB2_4-.Ltmp1, $4  }
0x11c: {  	s6 =	simm.s32 @!p4 $0x9;
	s7 =	sadd.s32 @!p0 $0xFFFFFC00, s14;
	s9 =	simm.s32 @!p0 $0x400  }
0x11d: {  	[tilespmem:s9], [sflag:$0x5] =	stream.linear.gather @!p0 [hbm4b:s7+s8], $0x100, $0x38;
	[tilespmem:$0x1FE80] =	vst v63  }
0x11e: {  	s25 =	smov.u32 s14;
	_ =	swait.ge @!p4 [sflag:s6], $0x4000  }
0x11f: {  	s17 =	simm.s32 @!p4 $0x580;
	s14 =	sadd.s32 $0x1800, s14;
	[sflag:s6] =	ssyncset.done @!p4 $0x0  }
0x120: {  	[sflag:s6] =	ssyncadd.s32 @!p4 $0xFFFFC000;
	s0 =	simm.s32 @!p4 $0xA  }
0x121: {  	[spmem:s3] =	stream.indirect.scatter.add.f32 @!p4 [tilespmem:s29], [sflag:$0xA], $0x80, s17, s30, $0xb8;
	[tilespmem:$0x1FE80] =	vst v63  }
0x122: {  	_ =	swait.ge @!p4 [sflag:s0], $0x4000  }
0x123: {  	[sflag:s0] =	ssyncset.done @!p4 $0x0  }
0x124: {  	s6 =	simm.s32 @!p3 $0x3;
	[sflag:s0] =	ssyncadd.s32 @!p4 $0xFFFFC000  }
0x125: {  	s7 =	simm.s32 @!p3 $0x80;
	_ =	swait.ge @!p3 [sflag:s6], $0x100  }
0x126: {  	s8 =	simm.s32 @!p3 $0x8600;
	s19 =	rddreg [dreg:$0x5];
	[sflag:s6] =	ssyncset.done @!p3 $0x0  }
0x127: {  	p0 =	sgt.u32 s2, $0x9C3;
	[sflag:s6] =	ssyncadd.s32 @!p3 $0xFFFFFF00;
	p1 =	sge.u32 s16, s19  }
0x128: {  	[tilespmem:s8], [sflag:$0x9] =	stream.indirect.gather @!p3 [hbm4b:s1+s7], $0x80, s26, s7, $0xb8;
	[tilespmem:$0x1FE80] =	vst v63  }
0x129: {  	s2 =	simm.s32 @!p0 $0x0;
	s6 =	simm.s32 @!p0 $0x500;
	s0 =	simm.s32 @!p1 $0x7  }
0x12a: {  	[tilespmem:s6], [sflag:$0x6] =	stream.linear.gather @!p0 [hbm4b:s25+s2], $0x100, $0x38;
	[tilespmem:$0x1FE80] =	vst v63  }
0x12b: {  	_ =	swait.ge @!p1 [sflag:s0], $0x4000  }
0x12c: {  	s7 =	simm.s32 @!p1 $0xA;
	[sflag:s0] =	ssyncset.done @!p1 $0x0  }
0x12d: {  	s2 =	simm.s32 @!p1 $0x80;
	s6 =	simm.s32 @!p1 $0x600;
	[sflag:s0] =	ssyncadd.s32 @!p1 $0xFFFFC000  }
0x12e: {  	[spmem:s3] =	stream.indirect.scatter.add.f32 @!p1 [tilespmem:s6], [sflag:$0xA], $0x80, s2, s2, $0xb8;
	[tilespmem:$0x1FE80] =	vst v63  }
0x12f: {  	_ =	swait.ge @!p1 [sflag:s7], $0x4000  }
0x130: {  	s20 =	rddreg [dreg:$0x6]  }
0x131: {  	s21 =	sadd.s32 s16, s5;
	[sflag:s7] =	ssyncset.done @!p1 $0x0;
	p0 =	sge.u32 s16, s20  }
0x132: {  	s25 =	sadd.s32 $0xC0, s21;
	[sflag:s7] =	ssyncadd.s32 @!p1 $0xFFFFC000;
	s2 =	simm.s32 @!p0 $0x4  }
0x133: {  	p2 =	sgt.u32 s25, $0x9C3;
	s9 =	simm.s32 @!p0 $0x300;
	_ =	swait.ge @!p0 [sflag:s2], $0x100  }
0x134: {  	s7 =	simm.s32 @!p0 $0x600;
	[sflag:s2] =	ssyncset.done @!p0 $0x0;
	s12 =	rddreg [dreg:$0x7]  }
0x135: {  	s8 =	simm.s32 @!p0 $0x80;
	[sflag:s2] =	ssyncadd.s32 @!p0 $0xFFFFFF00;
	p4 =	sge.u32 s16, s12  }
0x136: {  	[tilespmem:s7], [sflag:$0x7] =	stream.indirect.gather @!p0 [hbm4b:s1+s8], $0x80, s9, s8, $0xb8;
	[tilespmem:$0x1FE80] =	vst v63  }
0x137: {  	s6 =	simm.s32 @!p2 $0x0;
	s2 =	sadd.s32 @!p2 $0xFFFFEC00, s14;
	s9 =	simm.s32 @!p4 $0x8  }
0x138: {  	[tilespmem:s6], [sflag:$0x1] =	stream.linear.gather @!p2 [hbm4b:s2+s6], $0x100, $0x38;
	[tilespmem:$0x1FE80] =	vst v63  }
0x139: {  	_ =	swait.ge @!p4 [sflag:s9], $0x4000  }
0x13a: {  	s12 =	simm.s32 @!p4 $0xA;
	s17 =	simm.s32 @!p4 $0x80;
	[sflag:s9] =	ssyncset.done @!p4 $0x0  }
0x13b: {  	s18 =	simm.s32 @!p4 $0x180;
	s2 =	simm.s32 @!p4 $0x4600;
	[sflag:s9] =	ssyncadd.s32 @!p4 $0xFFFFC000  }
0x13c: {  	[spmem:s3] =	stream.indirect.scatter.add.f32 @!p4 [tilespmem:s2], [sflag:$0xA], $0x80, s18, s17, $0xb8;
	[tilespmem:$0x1FE80] =	vst v63  }
0x13d: {  	_ =	swait.ge @!p4 [sflag:s12], $0x4000  }
0x13e: {  	s26 =	rddreg [dreg:$0x8]  }
0x13f: {  	s28 =	sadd.s32 $0xE0, s21;
	[sflag:s12] =	ssyncset.done @!p4 $0x0;
	p3 =	sge.u32 s16, s26  }
0x140: {  	p1 =	sgt.u32 s28, $0x9C3;
	[sflag:s12] =	ssyncadd.s32 @!p4 $0xFFFFC000;
	s12 =	simm.s32 @!p3 $0x5  }
0x141: {  	s19 =	simm.s32 @!p1 $0x0;
	_ =	swait.ge @!p3 [sflag:s12], $0x100  }
0x142: {  	s9 =	simm.s32 @!p3 $0x4600;
	s17 =	simm.s32 @!p3 $0x80;
	[sflag:s12] =	ssyncset.done @!p3 $0x0  }
0x143: {  	s29 =	rddreg [dreg:$0x9];
	[sflag:s12] =	ssyncadd.s32 @!p3 $0xFFFFFF00;
	s12 =	simm.s32 @!p3 $0x400  }
0x144: {  	[tilespmem:s9], [sflag:$0x8] =	stream.indirect.gather @!p3 [hbm4b:s1+s17], $0x80, s12, s17, $0xb8;
	[tilespmem:$0x1FE80] =	vst v63  }
0x145: {  	s2 =	simm.s32 @!p1 $0x100;
	p4 =	sge.u32 s16, s29;
	s12 =	sadd.s32 @!p1 $0xFFFFF000, s14  }
0x146: {  	[tilespmem:s2], [sflag:$0x2] =	stream.linear.gather @!p1 [hbm4b:s12+s19], $0x100, $0x38;
	[tilespmem:$0x1FE80] =	vst v63  }
0x147: {  	s12 =	simm.s32 @!p4 $0x9  }
0x148: {  	_ =	swait.ge @!p4 [sflag:s12], $0x4000  }
0x149: {  	s18 =	simm.s32 @!p4 $0x8600;
	s20 =	simm.s32 @!p4 $0x280;
	[sflag:s12] =	ssyncset.done @!p4 $0x0  }
0x14a: {  	s19 =	simm.s32 @!p4 $0xA;
	[sflag:s12] =	ssyncadd.s32 @!p4 $0xFFFFC000;
	s12 =	simm.s32 @!p4 $0x80  }
0x14b: {  	[spmem:s3] =	stream.indirect.scatter.add.f32 @!p4 [tilespmem:s18], [sflag:$0xA], $0x80, s20, s12, $0xb8;
	[tilespmem:$0x1FE80] =	vst v63  }
0x14c: {  	_ =	swait.ge @!p4 [sflag:s19], $0x4000  }
0x14d: {  	s30 =	rddreg [dreg:$0xa]  }
0x14e: {  	[sflag:s19] =	ssyncset.done @!p4 $0x0;
	p5 =	sge.u32 s16, s30  }
0x14f: {  	[sflag:s19] =	ssyncadd.s32 @!p4 $0xFFFFC000;
	s12 =	simm.s32 @!p5 $0x6  }
0x150: {  	s31 =	sadd.s32 $0x100, s21;
	_ =	swait.ge @!p5 [sflag:s12], $0x100  }
0x151: {  	p4 =	sgt.u32 s31, $0x9C3;
	s16 =	simm.s32 @!p5 $0x8600;
	[sflag:s12] =	ssyncset.done @!p5 $0x0  }
0x152: {  	s18 =	simm.s32 @!p5 $0x80;
	[sflag:s12] =	ssyncadd.s32 @!p5 $0xFFFFFF00;
	s12 =	simm.s32 @!p5 $0x500  }
0x153: {  	[tilespmem:s16], [sflag:$0x9] =	stream.indirect.gather @!p5 [hbm4b:s1+s18], $0x80, s12, s18, $0xb8;
	[tilespmem:$0x1FE80] =	vst v63  }
0x154: {  	s19 =	simm.s32 @!p4 $0x0;
	s20 =	sadd.s32 @!p4 $0xFFFFF400, s14;
	s12 =	simm.s32 @!p4 $0x200  }
0x155: {  	[tilespmem:s12], [sflag:$0x3] =	stream.linear.gather @!p4 [hbm4b:s20+s19], $0x100, $0x38;
	[tilespmem:$0x1FE80] =	vst v63  }
0x156: {  	s19 =	simm.s32 @!p0 $0x7  }
0x157: {  	_ =	swait.ge @!p0 [sflag:s19], $0x4000  }
0x158: {  	[sflag:s19] =	ssyncset.done @!p0 $0x0  }
0x159: {  	[sflag:s19] =	ssyncadd.s32 @!p0 $0xFFFFC000;
	s19 =	simm.s32 @!p0 $0x380  }
0x15a: {  	[spmem:s3] =	stream.indirect.scatter.add.f32 @!p0 [tilespmem:s7], [sflag:$0xA], $0x80, s19, s8, $0xb8;
	[tilespmem:$0x1FE80] =	vst v63  }
0x15b: {  	s7 =	simm.s32 @!p0 $0xA  }
0x15c: {  	_ =	swait.ge @!p0 [sflag:s7], $0x4000  }
0x15d: {  	[sflag:s7] =	ssyncset.done @!p0 $0x0  }
0x15e: {  	[sflag:s7] =	ssyncadd.s32 @!p0 $0xFFFFC000;
	s7 =	simm.s32 @!p2 $0x1  }
0x15f: {  	_ =	swait.ge @!p2 [sflag:s7], $0x100  }
0x160: {  	[sflag:s7] =	ssyncset.done @!p2 $0x0  }
0x161: {  	s8 =	simm.s32 @!p2 $0x80;
	[sflag:s7] =	ssyncadd.s32 @!p2 $0xFFFFFF00;
	s7 =	simm.s32 @!p2 $0x600  }
0x162: {  	[tilespmem:s7], [sflag:$0x7] =	stream.indirect.gather @!p2 [hbm4b:s1+s8], $0x80, s6, s8, $0xb8;
	[tilespmem:$0x1FE80] =	vst v63  }
0x163: {  	s8 =	sadd.s32 $0x120, s21  }
0x164: {  	p0 =	sgt.u32 s8, $0x9C3  }
0x165: {  	s6 =	simm.s32 @!p0 $0x0;
	s7 =	sadd.s32 @!p0 $0xFFFFF800, s14;
	s8 =	simm.s32 @!p0 $0x300  }
0x166: {  	[tilespmem:s8], [sflag:$0x4] =	stream.linear.gather @!p0 [hbm4b:s7+s6], $0x100, $0x38;
	[tilespmem:$0x1FE80] =	vst v63  }
0x167: {  	s6 =	simm.s32 @!p3 $0x8  }
0x168: {  	_ =	swait.ge @!p3 [sflag:s6], $0x4000  }
0x169: {  	[sflag:s6] =	ssyncset.done @!p3 $0x0  }
0x16a: {  	[sflag:s6] =	ssyncadd.s32 @!p3 $0xFFFFC000;
	s6 =	simm.s32 @!p3 $0x480  }
0x16b: {  	[spmem:s3] =	stream.indirect.scatter.add.f32 @!p3 [tilespmem:s9], [sflag:$0xA], $0x80, s6, s17, $0xb8;
	[tilespmem:$0x1FE80] =	vst v63  }
0x16c: {  	s6 =	simm.s32 @!p3 $0xA  }
0x16d: {  	_ =	swait.ge @!p3 [sflag:s6], $0x4000  }
0x16e: {  	[sflag:s6] =	ssyncset.done @!p3 $0x0  }
0x16f: {  	[sflag:s6] =	ssyncadd.s32 @!p3 $0xFFFFC000;
	s6 =	simm.s32 @!p1 $0x2  }
0x170: {  	_ =	swait.ge @!p1 [sflag:s6], $0x100  }
0x171: {  	s19 =	sadd.s32 $0x140, s21;
	s7 =	simm.s32 @!p1 $0x80;
	[sflag:s6] =	ssyncset.done @!p1 $0x0  }
0x172: {  	p0 =	sgt.u32 s19, $0x9C3;
	[sflag:s6] =	ssyncadd.s32 @!p1 $0xFFFFFF00;
	s6 =	simm.s32 @!p1 $0x4600  }
0x173: {  	[tilespmem:s6], [sflag:$0x8] =	stream.indirect.gather @!p1 [hbm4b:s1+s7], $0x80, s2, s7, $0xb8;
	[tilespmem:$0x1FE80] =	vst v63  }
0x174: {  	s2 =	simm.s32 @!p0 $0x0;
	s6 =	sadd.s32 @!p0 $0xFFFFFC00, s14;
	s7 =	simm.s32 @!p0 $0x400  }
0x175: {  	[tilespmem:s7], [sflag:$0x5] =	stream.linear.gather @!p0 [hbm4b:s6+s2], $0x100, $0x38;
	[tilespmem:$0x1FE80] =	vst v63  }
0x176: {  	s2 =	simm.s32 @!p5 $0x9  }
0x177: {  	_ =	swait.ge @!p5 [sflag:s2], $0x4000  }
0x178: {  	[sflag:s2] =	ssyncset.done @!p5 $0x0  }
0x179: {  	[sflag:s2] =	ssyncadd.s32 @!p5 $0xFFFFC000;
	s2 =	simm.s32 @!p5 $0x580  }
0x17a: {  	[spmem:s3] =	stream.indirect.scatter.add.f32 @!p5 [tilespmem:s16], [sflag:$0xA], $0x80, s2, s18, $0xb8;
	[tilespmem:$0x1FE80] =	vst v63  }
0x17b: {  	s2 =	simm.s32 @!p5 $0xA  }
0x17c: {  	_ =	swait.ge @!p5 [sflag:s2], $0x4000  }
0x17d: {  	[sflag:s2] =	ssyncset.done @!p5 $0x0  }
0x17e: {  	[sflag:s2] =	ssyncadd.s32 @!p5 $0xFFFFC000;
	s2 =	simm.s32 @!p4 $0x3  }
0x17f: {  	_ =	swait.ge @!p4 [sflag:s2], $0x100  }
0x180: {  	s0 =	sadd.s32 $0x160, s21;
	s6 =	simm.s32 @!p4 $0x80;
	[sflag:s2] =	ssyncset.done @!p4 $0x0  }
0x181: {  	p0 =	sgt.u32 s0, $0x9C3;
	[sflag:s2] =	ssyncadd.s32 @!p4 $0xFFFFFF00;
	s2 =	simm.s32 @!p4 $0x8600  }
0x182: {  	[tilespmem:s2], [sflag:$0x9] =	stream.indirect.gather @!p4 [hbm4b:s1+s6], $0x80, s12, s6, $0xb8;
	[tilespmem:$0x1FE80] =	vst v63  }
0x183: {  	s0 =	simm.s32 @!p0 $0x0;
	s2 =	simm.s32 @!p0 $0x500  }
0x184: {  	[tilespmem:s2], [sflag:$0x6] =	stream.linear.gather @!p0 [hbm4b:s14+s0], $0x100, $0x38;
	[tilespmem:$0x1FE80] =	vst v63  }
0x185: {  	[bflag:$0x0] =	sbarrier.arrive $0xFFFF  }
0x186: {  	s21 =	sshrl.u32 s22, $0x3;
	s20 =	rddreg [dreg:$0x14]  }
0x187: {  	s12 =	smov.u32 s22;
	s22 =	rddreg [dreg:$0xc];
	s0 =	sor.u32 $0x1C07, s20  }
0x188: {  	[hbm:s22], [sflag:s0] =	dma.local [spmem:s21], $0x500  }
0x189: {  	s14 =	smov.u32 s23;
	s23 =	sshrl.u32 s23, $0x3;
	s6 =	rddreg [dreg:$0xd]  }
0x18a: {  	[hbm:s6], [sflag:s0] =	dma.local [spmem:s23], $0x500  }
0x18b: {  	s8 =	smov.u32 s24;
	s24 =	sshrl.u32 s24, $0x3;
	s6 =	rddreg [dreg:$0xe]  }
0x18c: {  	[hbm:s6], [sflag:s0] =	dma.local [spmem:s24], $0x500  }
0x18d: {  	s16 =	rddreg [dreg:$0x16]  }
0x18e: {  	s6 =	rddreg [dreg:$0xf];
	s25 =	sshrl.u32 s16, $0x3  }
0x18f: {  	[hbm:s6], [sflag:s0] =	dma.local [spmem:s25], $0x500  }
0x190: {  	s9 =	rddreg [dreg:$0x17]  }
0x191: {  	s6 =	rddreg [dreg:$0x10];
	s26 =	sshrl.u32 s9, $0x3  }
0x192: {  	[hbm:s6], [sflag:s0] =	dma.local [spmem:s26], $0x500  }
0x193: {  	s17 =	rddreg [dreg:$0x18]  }
0x194: {  	s6 =	rddreg [dreg:$0x11];
	s28 =	sshrl.u32 s17, $0x3  }
0x195: {  	[hbm:s6], [sflag:s0] =	dma.local [spmem:s28], $0x500  }
0x196: {  	s18 =	rddreg [dreg:$0x19]  }
0x197: {  	s6 =	rddreg [dreg:$0x12];
	s29 =	sshrl.u32 s18, $0x3  }
0x198: {  	[hbm:s6], [sflag:s0] =	dma.local [spmem:s29], $0x500  }
0x199: {  	s2 =	sld [smem:$0x7FC];
	_ =	sdelay $0x2  }
0x19a: {  	s7 =	rddreg [dreg:$0x1a];
	p1 =	seq.s32 s2, $0x1  }
0x19b: {  	s6 =	rddreg [dreg:$0x13];
	s2 =	sshrl.u32 @!p1 s7, $0x3  }
0x19c: {  	[hbm:s6], [sflag:s0] =	dma.local @!p1 [spmem:s2], $0x500  }
0x19d: {  	_ =	swait.ge [sflag:s11], $0x500  }
0x19e: {  	[sflag:s11] =	ssyncset.done $0x0  }
0x19f: {  	[sflag:s11] =	ssyncadd.s32 $0xFFFFFB00  }
0x1a0: {  	_ =	swait.ge [sflag:s11], $0x500  }
0x1a1: {  	[sflag:s11] =	ssyncset.done $0x0  }
0x1a2: {  	[sflag:s11] =	ssyncadd.s32 $0xFFFFFB00  }
0x1a3: {  	_ =	swait.ge [sflag:s11], $0x500  }
0x1a4: {  	[sflag:s11] =	ssyncset.done $0x0  }
0x1a5: {  	[sflag:s11] =	ssyncadd.s32 $0xFFFFFB00  }
0x1a6: {  	_ =	swait.ge [sflag:s11], $0x500  }
0x1a7: {  	[sflag:s11] =	ssyncset.done $0x0  }
0x1a8: {  	[sflag:s11] =	ssyncadd.s32 $0xFFFFFB00  }
0x1a9: {  	_ =	swait.ge [sflag:s11], $0x500  }
0x1aa: {  	[sflag:s11] =	ssyncset.done $0x0  }
0x1ab: {  	[sflag:s11] =	ssyncadd.s32 $0xFFFFFB00  }
0x1ac: {  	_ =	swait.ge [sflag:s11], $0x500  }
0x1ad: {  	[sflag:s11] =	ssyncset.done $0x0  }
0x1ae: {  	[sflag:s11] =	ssyncadd.s32 $0xFFFFFB00  }
0x1af: {  	_ =	swait.ge [sflag:s11], $0x500  }
0x1b0: {  	s30 =	sld [smem:$0x7FD];
	_ =	sdelay $0x2  }
0x1b1: {  	[sflag:s11] =	ssyncset.done $0x0;
	p2 =	seq.s32 s30, $0x1  }
0x1b2: {  	[sflag:s11] =	ssyncadd.s32 $0xFFFFFB00;
	s0 =	simm.s32 @!p2 $0x7  }
0x1b3: {  	_ =	swait.ge @!p2 [sflag:s0], $0x500  }
0x1b4: {  	s13 =	sadd.s32 $0x1, s13;
	s31 =	rddreg [dreg:$0x15]  }
0x1b5: {  	p0 =	sne.s32 s13, s31  }
.Ltmp2:
0x1b6: {  	_ = 	snop;
	(pc) =	sbr.rel @p0 .LBB2_1-.Ltmp2, $3  }
0x1b7: {  	_ =	sdelay $0x1  }
0x1b8: {  	[sflag:s0] =	ssyncset.done @!p2 $0x0  }
0x1b9: {  	s20 =	simm.s32 $0x80;
	[sflag:s0] =	ssyncadd.s32 @!p2 $0xFFFFFB00  }
0x1ba: {  	_ =	sfence.sel $0x180000  }
0x1bb: {  	[bflag:$0x0] =	sbarrier.arrive $0xFFFF  }
0x1bc: {  	_ =	strace $0x90000047  }
0x1bd: {  	s0 =	stileid.u32;
	[bflag:$0x2] =	sbarrier.arrive $0xFFFF  }
0x1be: {  	p0 =	sne.s32 s0, $0x0;
	s0 =	rddreg [dreg:$0x4]  }
0x1bf: {  	s0 =	sadd.s32 @!p0 $0x100000, s0  }
0x1c0: {  	[sflag:s0] =	ssyncadd.tile.s32 @!p0 $0x1;
	_ =	shalt  }
.Lfunc_end2:
_tile_overlayer_lowered:
.L_overlay_start_2:
0x1c1: {  	(tag) =	ssettag $0x2  }
0x1c2: {  	s0 =	rddreg [dreg:$0x0];
	s2 =	stileid.u32  }
0x1c3: {  	s1 =	rddreg [dreg:$0x1];
	p0 =	sne.s32 s2, $0x0  }
0x1c4: {  	s3 =	rddreg [dreg:$0x2];
	[bflag:$0x3] =	sbarrier.arrive $0xFFFF;
	s2 =	simm.s32 @!p0 $0x1C0A  }
0x1c5: {  	[timem:s3], [sflag:s2] =	dma.local @!p0 [hbm:s0], s1  }
0x1c6: {  	s0 =	simm.s32 @!p0 $0xA  }
0x1c7: {  	_ =	swait.ge @!p0 [sflag:s0], s1  }
0x1c8: {  	s1 =	ssub.s32 @!p0 $0x0, s1;
	[sflag:s0] =	ssyncset.done @!p0 $0x0  }
0x1c9: {  	[sflag:s0] =	ssyncadd.s32 @!p0 s1  }
0x1ca: {  	[bflag:$0x3] =	sbarrier.arrive $0xFFFF  }
0x1cb: {  	_ =	shalt  }

</sc_bundles>
